<compile_context>
chip_gen: v7x
topology: tpu7x:2x2x1
jax: 0.10.2.dev20260603
libtpu: 0.0.44.dev20260713+nightly
codegen_flags: <defaults>
</compile_context>

<pallas_src>
import functools

import jax
import jax.numpy as jnp
from jax import lax
from jax.experimental import pallas as pl
from jax.experimental.pallas import tpu as pltpu
from jax.experimental.pallas import tpu_sc as plsc

NCAM = 6
C = 64
HW = 11264
TBLK = 1408
NTB = HW // TBLK
CAM_STRIDE = (NTB + 1) * TBLK
PAD_BASE = HW
NROWS = NCAM * CAM_STRIDE
K = 25000
NWRITES = NCAM * K
S_TOTAL = 160000
NCORES = 2
NSUB = 16
NWORKERS = NCORES * NSUB
S_PER_W = S_TOTAL // NWORKERS
SRC_PAD = 5008
WIN = 2000
NWIN = NWRITES // WIN
VGRP = 25
CH = 40
GCH = 5
GROUP = CH * GCH
NGRP = S_PER_W // GROUP


HB = 8


def _t1_body(f_ref, o_ref):
    b = pl.program_id(1)
    x4 = f_ref[0]
    eye = (lax.broadcasted_iota(jnp.int32, (C, C), 0)
           == lax.broadcasted_iota(jnp.int32, (C, C), 1)).astype(jnp.float32)
    for i in range(HB):
        xi = x4[:, i, :]
        yi = lax.dot_general(xi, eye, (((0,), (0,)), ((), ())),
                             preferred_element_type=jnp.float32,
                             precision=lax.Precision.HIGHEST)
        o_ref[pl.ds(i * 176, 176), :] = jnp.where(b == NTB, jnp.zeros_like(yi), yi)


def _t1(features):
    return pl.pallas_call(
        _t1_body,
        grid=(NCAM, NTB + 1),
        in_specs=[pl.BlockSpec((1, C, HB, 176),
                               lambda i, b: (i, 0, jnp.minimum(b, NTB - 1), 0))],
        out_specs=pl.BlockSpec((TBLK, C), lambda i, b: (i * (NTB + 1) + b, 0)),
        out_shape=jax.ShapeDtypeStruct((NROWS, C), jnp.float32),
    )(features)


def _t2_body(x_ref, o_ref):
    x = x_ref[...]
    eye = (lax.broadcasted_iota(jnp.int32, (256, 256), 0)
           == lax.broadcasted_iota(jnp.int32, (256, 256), 1)).astype(jnp.float32)
    o_ref[...] = lax.dot_general(eye, x, (((0,), (1,)), ((), ())),
                                 preferred_element_type=jnp.float32,
                                 precision=lax.Precision.HIGHEST)


def _t2(outT2):
    rb = 4096
    return pl.pallas_call(
        _t2_body,
        grid=((40000 + rb - 1) // rb,),
        in_specs=[pl.BlockSpec((rb, 256), lambda b: (b, 0))],
        out_specs=pl.BlockSpec((256, rb), lambda b: (0, b)),
        out_shape=jax.ShapeDtypeStruct((256, 40000), jnp.float32),
    )(outT2)


def _gc_body(g_ref, o_ref):
    cam = lax.broadcasted_iota(jnp.int32, (NCAM, K), 0)
    o_ref[...] = g_ref[...] + cam * CAM_STRIDE


def _gcomb(gather_idx):
    return pl.pallas_call(
        _gc_body,
        out_shape=jax.ShapeDtypeStruct((NCAM, K), jnp.int32),
    )(gather_idx)


def _sc1_body(gidx, sidx, win_hbm,
              src_local, swin, gwin, s_sh, g_sh, sem_i0, sem_i1):
    cid = lax.axis_index("c")
    sid = lax.axis_index("s")
    wid = sid * NCORES + cid
    lo = wid * S_PER_W
    lane = lax.broadcasted_iota(jnp.int32, (16,), 0)

    @pl.when(sid == 0)
    def _stage():
        pltpu.sync_copy(sidx, s_sh)
        pltpu.sync_copy(gidx, g_sh)

    def _init(i, carry):
        r = i * 16 + lane
        pad = (r % NCAM) * CAM_STRIDE + PAD_BASE + (r % TBLK)
        src_local[pl.ds(i * 16, 16)] = pad
        return carry
    lax.fori_loop(0, SRC_PAD // 16, _init, 0)

    plsc.subcore_barrier()

    def _fire(w, half):
        off = half * WIN
        sem = sem_i0 if half == 0 else sem_i1
        pltpu.async_copy(s_sh.at[pl.ds(w * WIN, WIN)],
                         swin.at[pl.ds(off, WIN)], sem)
        pltpu.async_copy(g_sh.at[pl.ds(w * WIN, WIN)],
                         gwin.at[pl.ds(off, WIN)], sem)

    def _drain(half):
        off = half * WIN
        sem = sem_i0 if half == 0 else sem_i1
        pltpu.make_async_copy(s_sh.at[pl.ds(0, WIN)],
                              swin.at[pl.ds(off, WIN)], sem).wait()
        pltpu.make_async_copy(g_sh.at[pl.ds(0, WIN)],
                              gwin.at[pl.ds(off, WIN)], sem).wait()

    def _scan(half):
        base = half * WIN

        def _load(j):
            off0 = base + jnp.minimum(j, VGRP - 1) * 80
            return tuple(swin[pl.ds(off0 + t * 16, 16)] for t in range(5)) \
                + tuple(gwin[pl.ds(off0 + t * 16, 16)] for t in range(5))

        def _vgrp(j, carry):
            nxt = _load(j + 1)
            for t in range(5):
                s_vec, g_vec = carry[t], carry[5 + t]
                local = s_vec - lo
                m = plsc.bitcast(local, jnp.uint32) < jnp.uint32(S_PER_W)
                plsc.store_scatter(src_local, [local], g_vec, mask=m)
            return nxt
        lax.fori_loop(0, VGRP, _vgrp, _load(0))

    _fire(0, 0)

    def _wpair(u, carry):
        w = u * 2
        _fire(w + 1, 1)
        _drain(0)
        _scan(0)
        _fire(w + 2, 0)
        _drain(1)
        _scan(1)
        return carry
    lax.fori_loop(0, NWIN // 2, _wpair, 0)
    _drain(0)
    _scan(0)

    pltpu.sync_copy(src_local.at[pl.ds(0, S_PER_W)],
                    win_hbm.at[pl.ds(lo, S_PER_W)])


def _sc2_body(win_hbm, featT, out_hbm,
              src_local, rows_a, rows_b, sem_a, sem_b):
    cid = lax.axis_index("c")
    sid = lax.axis_index("s")
    wid = sid * NCORES + cid
    lo = wid * S_PER_W

    pltpu.sync_copy(win_hbm.at[pl.ds(lo, S_PER_W)],
                    src_local.at[pl.ds(0, S_PER_W)])

    def _fire_rows(g, rows, sem):
        for b in range(GCH):
            pltpu.async_copy(
                featT.at[src_local.at[pl.ds(g * GROUP + b * CH, CH)]],
                rows.at[pl.ds(b * CH, CH)], sem)

    def _drain_rows(rows, sem):
        for b in range(GCH):
            pltpu.make_async_copy(
                featT.at[src_local.at[pl.ds(b * CH, CH)]],
                rows.at[pl.ds(b * CH, CH)], sem).wait()

    def _wb(g, rows):
        pltpu.sync_copy(rows, out_hbm.at[pl.ds(lo + g * GROUP, GROUP)])

    _fire_rows(0, rows_a, sem_a)

    def _gpair(t, carry):
        ga = t * 2
        _fire_rows(ga + 1, rows_b, sem_b)
        _drain_rows(rows_a, sem_a)
        _wb(ga, rows_a)
        _fire_rows(ga + 2, rows_a, sem_a)
        _drain_rows(rows_b, sem_b)
        _wb(ga + 1, rows_b)
        return carry
    lax.fori_loop(0, NGRP // 2, _gpair, 0)
    _drain_rows(rows_a, sem_a)
    _wb(NGRP - 1, rows_a)


_SC_MESH = dict(core_axis_name="c", subcore_axis_name="s",
                num_cores=NCORES, num_subcores=NSUB)
_SC_PARAMS = dict(use_tc_tiling_on_sc=False, needs_layout_passes=False)


@functools.cache
def _sc1_call():
    return pl.kernel(
        _sc1_body,
        out_type=jax.ShapeDtypeStruct((S_TOTAL,), jnp.int32),
        mesh=plsc.VectorSubcoreMesh(**_SC_MESH),
        compiler_params=pltpu.CompilerParams(**_SC_PARAMS),
        scratch_types=[
            pltpu.VMEM((SRC_PAD,), jnp.int32),
            pltpu.VMEM((2 * WIN,), jnp.int32),
            pltpu.VMEM((2 * WIN,), jnp.int32),
            pltpu.VMEM_SHARED((NWRITES,), jnp.int32),
            pltpu.VMEM_SHARED((NWRITES,), jnp.int32),
            pltpu.SemaphoreType.DMA,
            pltpu.SemaphoreType.DMA,
        ],
    )


@functools.cache
def _sc2_call():
    return pl.kernel(
        _sc2_body,
        out_type=jax.ShapeDtypeStruct((S_TOTAL, C), jnp.float32),
        mesh=plsc.VectorSubcoreMesh(**_SC_MESH),
        compiler_params=pltpu.CompilerParams(**_SC_PARAMS),
        scratch_types=[
            pltpu.VMEM((SRC_PAD,), jnp.int32),
            pltpu.VMEM((GROUP, C), jnp.float32),
            pltpu.VMEM((GROUP, C), jnp.float32),
            pltpu.SemaphoreType.DMA,
            pltpu.SemaphoreType.DMA,
        ],
    )


def kernel(features, gather_idx, scatter_idx):
    featT = _t1(features)
    gcomb = _gcomb(gather_idx.astype(jnp.int32))
    winners = _sc1_call()(gcomb.reshape(-1),
                          scatter_idx.reshape(-1).astype(jnp.int32))
    outT = _sc2_call()(winners, featT)
    out2d = _t2(outT.reshape(40000, 256))
    return out2d.reshape(1, 256, 200, 200)

# --- scband reference (transcript-rebuilt; emitter-appended) ---
"""Pipeline reference for scband-toymodel-60601988546596 (READ-ONLY COPY).

The authoritative reference and input builder live on the scoring server;
editing this copy changes nothing except your own understanding.
"""

import jax, jax.numpy as jnp
import numpy as np


def setup_inputs(seed: int = 0) -> dict:
    key = jax.random.key(seed)
    k1, k2, k3 = jax.random.split(key, 3)
    features = jax.random.normal(k1, (6, 64, 64, 176), dtype=jnp.float32)
    gather_idx = jax.random.randint(k2, (6, 25000), 0, 64 * 176)
    scatter_idx = jax.random.randint(k3, (6, 25000), 0, 160000)
    return {"features": features, "gather_idx": gather_idx, "scatter_idx": scatter_idx}


def reference(features, gather_idx, scatter_idx):
    # features: [6, 64, H, W]; per-camera gather from flattened HxW map,
    # scatter-overwrite into a [64, 160000] BEV buffer, then reshape to [1,256,200,200].
    out2 = jnp.zeros((64, 160000), dtype=features.dtype)
    for i in range(6):
        # permute(1,2,0) then flatten(0,1): [H*W, C]
        feat = jnp.transpose(features[i], (1, 2, 0)).reshape(-1, features.shape[1])
        update = jnp.take(feat, gather_idx[i], axis=0).T  # [C, K]
        out2 = out2.at[:, scatter_idx[i]].set(update)
    return out2.reshape(1, 64, 200, 200, 4).transpose(0, 4, 1, 2, 3).reshape(1, 256, 200, 200)

if __name__ == "__main__":
    import jax
    _d = setup_inputs()
    print(jax.jit(kernel)(*tuple(_d.values())))

</pallas_src>

<mosaic_0001>
#map = affine_map<(d0, d1) -> (0)>
#map1 = affine_map<(d0, d1) -> (0, 0)>
module attributes {stable_mosaic.version = 14 : i64} {
  func.func @_sc2_body(%arg0: i32, %arg1: i32, %arg2: memref<160000xi32, #tpu.memory_space<hbm>>, %arg3: memref<76032x64xf32, #tpu.memory_space<hbm>>, %arg4: memref<160000x64xf32, #tpu.memory_space<hbm>>, %arg5: memref<5008xi32, #tpu.memory_space<vmem>>, %arg6: memref<200x64xf32, #tpu.memory_space<vmem>>, %arg7: memref<200x64xf32, #tpu.memory_space<vmem>>, %arg8: memref<!tpu.dma_semaphore, #tpu.memory_space<semaphore_mem>>, %arg9: memref<!tpu.dma_semaphore, #tpu.memory_space<semaphore_mem>>) attributes {dimension_semantics = [#tpu.dimension_semantics<core_parallel>, #tpu.dimension_semantics<subcore_parallel>], iteration_bounds = array<i64: 2, 16>, scalar_prefetch = 0 : i64, scratch_operands = 5 : i64, tpu.core_type = #tpu.core_type<sc_vector_subcore>, window_params = [{transform_indices = #map}, {transform_indices = #map1}, {transform_indices = #map1}]} {
    %mul3A = arith.constant 2 : i32
    %mul3A_0 = arith.muli %arg1, %mul3A : i32
    %add3A = arith.addi %mul3A_0, %arg0 : i32
    %mul3A_1 = arith.constant 5000 : i32
    %mul3A_2 = arith.muli %add3A, %mul3A_1 : i32
    "tpu.region"() ({
      %run_scoped3A = tpu.sem_alloc : memref<!tpu.dma_semaphore, #tpu.memory_space<semaphore_mem>>
      %dma_start3A_88 = arith.constant 0 : i32
      %dma_start3A_89 = tpu.memref_slice %arg5[%dma_start3A_88] : memref<5008xi32, #tpu.memory_space<vmem>> -> memref<5000xi32, #tpu.memory_space<vmem>>
      %dma_start3A_90 = tpu.memref_slice %arg2[%mul3A_2] : memref<160000xi32, #tpu.memory_space<hbm>> -> memref<5000xi32, #tpu.memory_space<hbm>>
      %dma_start3A_91 = arith.constant 0 : i32
      %dma_start3A_92 = tpu.memref_slice %arg5[%dma_start3A_91] : memref<5008xi32, #tpu.memory_space<vmem>> -> memref<5000xi32, #tpu.memory_space<vmem>>
      %dma_start3A_93 = tpu.memref_slice %arg2[%mul3A_2] : memref<160000xi32, #tpu.memory_space<hbm>> -> memref<5000xi32, #tpu.memory_space<hbm>>
      tpu.enqueue_dma source(%dma_start3A_93 : memref<5000xi32, #tpu.memory_space<hbm>>) target(%dma_start3A_92 : memref<5000xi32, #tpu.memory_space<vmem>>) target_semaphore(%run_scoped3A : memref<!tpu.dma_semaphore, #tpu.memory_space<semaphore_mem>>)
      %dma_wait3A_94 = arith.constant 0 : i32
      %dma_wait3A_95 = tpu.memref_slice %arg5[%dma_wait3A_94] : memref<5008xi32, #tpu.memory_space<vmem>> -> memref<5000xi32, #tpu.memory_space<vmem>>
      %dma_wait3A_96 = tpu.memref_slice %arg2[%mul3A_2] : memref<160000xi32, #tpu.memory_space<hbm>> -> memref<5000xi32, #tpu.memory_space<hbm>>
      %dma_wait3A_97 = arith.constant 0 : i32
      %dma_wait3A_98 = tpu.memref_slice %arg5[%dma_wait3A_97] : memref<5008xi32, #tpu.memory_space<vmem>> -> memref<5000xi32, #tpu.memory_space<vmem>>
      %dma_wait3A_99 = tpu.memref_slice %arg2[%mul3A_2] : memref<160000xi32, #tpu.memory_space<hbm>> -> memref<5000xi32, #tpu.memory_space<hbm>>
      tpu.wait_dma2 semaphore(%run_scoped3A : memref<!tpu.dma_semaphore, #tpu.memory_space<semaphore_mem>>) src(%dma_wait3A_99 : memref<5000xi32, #tpu.memory_space<hbm>>) dst(%dma_wait3A_98 : memref<5000xi32, #tpu.memory_space<vmem>>)
      tpu.yield
    }) : () -> ()
    %dma_start3A = arith.constant 0 : i32
    %dma_start3A_3 = arith.constant 0 : i32
    %dma_start3A_4 = tpu.memref_slice %arg6[%dma_start3A, %dma_start3A_3] : memref<200x64xf32, #tpu.memory_space<vmem>> -> memref<40x64xf32, #tpu.memory_space<vmem>>
    %dma_start3A_5 = arith.constant 0 : i32
    %dma_start3A_6 = tpu.memref_slice %arg5[%dma_start3A_5] : memref<5008xi32, #tpu.memory_space<vmem>> -> memref<40xi32, #tpu.memory_space<vmem>>
    %dma_start3A_7 = arith.constant 0 : i32
    %dma_start3A_8 = arith.constant 0 : i32
    %dma_start3A_9 = tpu.memref_slice %arg3[%dma_start3A_7, %dma_start3A_8] : memref<76032x64xf32, #tpu.memory_space<hbm>> -> memref<76032x64xf32, #tpu.memory_space<hbm>>
    tpu.enqueue_indirect_dma source(%dma_start3A_9 : memref<76032x64xf32, #tpu.memory_space<hbm>>) target(%dma_start3A_4 : memref<40x64xf32, #tpu.memory_space<vmem>>) offsets(%dma_start3A_6 : memref<40xi32, #tpu.memory_space<vmem>>) semaphore(%arg8 : memref<!tpu.dma_semaphore, #tpu.memory_space<semaphore_mem>>)
    %dma_start3A_10 = arith.constant 40 : i32
    %dma_start3A_11 = arith.constant 0 : i32
    %dma_start3A_12 = tpu.memref_slice %arg6[%dma_start3A_10, %dma_start3A_11] : memref<200x64xf32, #tpu.memory_space<vmem>> -> memref<40x64xf32, #tpu.memory_space<vmem>>
    %dma_start3A_13 = arith.constant 40 : i32
    %dma_start3A_14 = tpu.memref_slice %arg5[%dma_start3A_13] : memref<5008xi32, #tpu.memory_space<vmem>> -> memref<40xi32, #tpu.memory_space<vmem>>
    %dma_start3A_15 = arith.constant 0 : i32
    %dma_start3A_16 = arith.constant 0 : i32
    %dma_start3A_17 = tpu.memref_slice %arg3[%dma_start3A_15, %dma_start3A_16] : memref<76032x64xf32, #tpu.memory_space<hbm>> -> memref<76032x64xf32, #tpu.memory_space<hbm>>
    tpu.enqueue_indirect_dma source(%dma_start3A_17 : memref<76032x64xf32, #tpu.memory_space<hbm>>) target(%dma_start3A_12 : memref<40x64xf32, #tpu.memory_space<vmem>>) offsets(%dma_start3A_14 : memref<40xi32, #tpu.memory_space<vmem>>) semaphore(%arg8 : memref<!tpu.dma_semaphore, #tpu.memory_space<semaphore_mem>>)
    %dma_start3A_18 = arith.constant 80 : i32
    %dma_start3A_19 = arith.constant 0 : i32
    %dma_start3A_20 = tpu.memref_slice %arg6[%dma_start3A_18, %dma_start3A_19] : memref<200x64xf32, #tpu.memory_space<vmem>> -> memref<40x64xf32, #tpu.memory_space<vmem>>
    %dma_start3A_21 = arith.constant 80 : i32
    %dma_start3A_22 = tpu.memref_slice %arg5[%dma_start3A_21] : memref<5008xi32, #tpu.memory_space<vmem>> -> memref<40xi32, #tpu.memory_space<vmem>>
    %dma_start3A_23 = arith.constant 0 : i32
    %dma_start3A_24 = arith.constant 0 : i32
    %dma_start3A_25 = tpu.memref_slice %arg3[%dma_start3A_23, %dma_start3A_24] : memref<76032x64xf32, #tpu.memory_space<hbm>> -> memref<76032x64xf32, #tpu.memory_space<hbm>>
    tpu.enqueue_indirect_dma source(%dma_start3A_25 : memref<76032x64xf32, #tpu.memory_space<hbm>>) target(%dma_start3A_20 : memref<40x64xf32, #tpu.memory_space<vmem>>) offsets(%dma_start3A_22 : memref<40xi32, #tpu.memory_space<vmem>>) semaphore(%arg8 : memref<!tpu.dma_semaphore, #tpu.memory_space<semaphore_mem>>)
    %dma_start3A_26 = arith.constant 120 : i32
    %dma_start3A_27 = arith.constant 0 : i32
    %dma_start3A_28 = tpu.memref_slice %arg6[%dma_start3A_26, %dma_start3A_27] : memref<200x64xf32, #tpu.memory_space<vmem>> -> memref<40x64xf32, #tpu.memory_space<vmem>>
    %dma_start3A_29 = arith.constant 120 : i32
    %dma_start3A_30 = tpu.memref_slice %arg5[%dma_start3A_29] : memref<5008xi32, #tpu.memory_space<vmem>> -> memref<40xi32, #tpu.memory_space<vmem>>
    %dma_start3A_31 = arith.constant 0 : i32
    %dma_start3A_32 = arith.constant 0 : i32
    %dma_start3A_33 = tpu.memref_slice %arg3[%dma_start3A_31, %dma_start3A_32] : memref<76032x64xf32, #tpu.memory_space<hbm>> -> memref<76032x64xf32, #tpu.memory_space<hbm>>
    tpu.enqueue_indirect_dma source(%dma_start3A_33 : memref<76032x64xf32, #tpu.memory_space<hbm>>) target(%dma_start3A_28 : memref<40x64xf32, #tpu.memory_space<vmem>>) offsets(%dma_start3A_30 : memref<40xi32, #tpu.memory_space<vmem>>) semaphore(%arg8 : memref<!tpu.dma_semaphore, #tpu.memory_space<semaphore_mem>>)
    %dma_start3A_34 = arith.constant 160 : i32
    %dma_start3A_35 = arith.constant 0 : i32
    %dma_start3A_36 = tpu.memref_slice %arg6[%dma_start3A_34, %dma_start3A_35] : memref<200x64xf32, #tpu.memory_space<vmem>> -> memref<40x64xf32, #tpu.memory_space<vmem>>
    %dma_start3A_37 = arith.constant 160 : i32
    %dma_start3A_38 = tpu.memref_slice %arg5[%dma_start3A_37] : memref<5008xi32, #tpu.memory_space<vmem>> -> memref<40xi32, #tpu.memory_space<vmem>>
    %dma_start3A_39 = arith.constant 0 : i32
    %dma_start3A_40 = arith.constant 0 : i32
    %dma_start3A_41 = tpu.memref_slice %arg3[%dma_start3A_39, %dma_start3A_40] : memref<76032x64xf32, #tpu.memory_space<hbm>> -> memref<76032x64xf32, #tpu.memory_space<hbm>>
    tpu.enqueue_indirect_dma source(%dma_start3A_41 : memref<76032x64xf32, #tpu.memory_space<hbm>>) target(%dma_start3A_36 : memref<40x64xf32, #tpu.memory_space<vmem>>) offsets(%dma_start3A_38 : memref<40xi32, #tpu.memory_space<vmem>>) semaphore(%arg8 : memref<!tpu.dma_semaphore, #tpu.memory_space<semaphore_mem>>)
    %scan3A = arith.constant 0 : i32
    %scan3A_42 = arith.constant 0 : i32
    %scan3A_43 = arith.constant 12 : i32
    %scan3A_44 = arith.addi %scan3A_42, %scan3A_43 : i32
    %scan3A_45 = arith.constant 1 : i32
    scf.for %scan3A_88 = %scan3A_42 to %scan3A_44 step %scan3A_45  : i32 {
      %mul3A_89 = arith.constant 2 : i32
      %mul3A_90 = arith.muli %scan3A_88, %mul3A_89 : i32
      %add3A_91 = arith.constant 1 : i32
      %add3A_92 = arith.addi %mul3A_90, %add3A_91 : i32
      %mul3A_93 = arith.constant 200 : i32
      %mul3A_94 = arith.muli %add3A_92, %mul3A_93 : i32
      %add3A_95 = arith.constant 0 : i32
      %add3A_96 = arith.addi %mul3A_94, %add3A_95 : i32
      %dma_start3A_97 = arith.constant 0 : i32
      %dma_start3A_98 = arith.constant 0 : i32
      %dma_start3A_99 = tpu.memref_slice %arg7[%dma_start3A_97, %dma_start3A_98] : memref<200x64xf32, #tpu.memory_space<vmem>> -> memref<40x64xf32, #tpu.memory_space<vmem>>
      %dma_start3A_100 = tpu.memref_slice %arg5[%add3A_96] : memref<5008xi32, #tpu.memory_space<vmem>> -> memref<40xi32, #tpu.memory_space<vmem>>
      %dma_start3A_101 = arith.constant 0 : i32
      %dma_start3A_102 = arith.constant 0 : i32
      %dma_start3A_103 = tpu.memref_slice %arg3[%dma_start3A_101, %dma_start3A_102] : memref<76032x64xf32, #tpu.memory_space<hbm>> -> memref<76032x64xf32, #tpu.memory_space<hbm>>
      tpu.enqueue_indirect_dma source(%dma_start3A_103 : memref<76032x64xf32, #tpu.memory_space<hbm>>) target(%dma_start3A_99 : memref<40x64xf32, #tpu.memory_space<vmem>>) offsets(%dma_start3A_100 : memref<40xi32, #tpu.memory_space<vmem>>) semaphore(%arg9 : memref<!tpu.dma_semaphore, #tpu.memory_space<semaphore_mem>>)
      %mul3A_104 = arith.constant 200 : i32
      %mul3A_105 = arith.muli %add3A_92, %mul3A_104 : i32
      %add3A_106 = arith.constant 40 : i32
      %add3A_107 = arith.addi %mul3A_105, %add3A_106 : i32
      %dma_start3A_108 = arith.constant 40 : i32
      %dma_start3A_109 = arith.constant 0 : i32
      %dma_start3A_110 = tpu.memref_slice %arg7[%dma_start3A_108, %dma_start3A_109] : memref<200x64xf32, #tpu.memory_space<vmem>> -> memref<40x64xf32, #tpu.memory_space<vmem>>
      %dma_start3A_111 = tpu.memref_slice %arg5[%add3A_107] : memref<5008xi32, #tpu.memory_space<vmem>> -> memref<40xi32, #tpu.memory_space<vmem>>
      %dma_start3A_112 = arith.constant 0 : i32
      %dma_start3A_113 = arith.constant 0 : i32
      %dma_start3A_114 = tpu.memref_slice %arg3[%dma_start3A_112, %dma_start3A_113] : memref<76032x64xf32, #tpu.memory_space<hbm>> -> memref<76032x64xf32, #tpu.memory_space<hbm>>
      tpu.enqueue_indirect_dma source(%dma_start3A_114 : memref<76032x64xf32, #tpu.memory_space<hbm>>) target(%dma_start3A_110 : memref<40x64xf32, #tpu.memory_space<vmem>>) offsets(%dma_start3A_111 : memref<40xi32, #tpu.memory_space<vmem>>) semaphore(%arg9 : memref<!tpu.dma_semaphore, #tpu.memory_space<semaphore_mem>>)
      %mul3A_115 = arith.constant 200 : i32
      %mul3A_116 = arith.muli %add3A_92, %mul3A_115 : i32
      %add3A_117 = arith.constant 80 : i32
      %add3A_118 = arith.addi %mul3A_116, %add3A_117 : i32
      %dma_start3A_119 = arith.constant 80 : i32
      %dma_start3A_120 = arith.constant 0 : i32
      %dma_start3A_121 = tpu.memref_slice %arg7[%dma_start3A_119, %dma_start3A_120] : memref<200x64xf32, #tpu.memory_space<vmem>> -> memref<40x64xf32, #tpu.memory_space<vmem>>
      %dma_start3A_122 = tpu.memref_slice %arg5[%add3A_118] : memref<5008xi32, #tpu.memory_space<vmem>> -> memref<40xi32, #tpu.memory_space<vmem>>
      %dma_start3A_123 = arith.constant 0 : i32
      %dma_start3A_124 = arith.constant 0 : i32
      %dma_start3A_125 = tpu.memref_slice %arg3[%dma_start3A_123, %dma_start3A_124] : memref<76032x64xf32, #tpu.memory_space<hbm>> -> memref<76032x64xf32, #tpu.memory_space<hbm>>
      tpu.enqueue_indirect_dma source(%dma_start3A_125 : memref<76032x64xf32, #tpu.memory_space<hbm>>) target(%dma_start3A_121 : memref<40x64xf32, #tpu.memory_space<vmem>>) offsets(%dma_start3A_122 : memref<40xi32, #tpu.memory_space<vmem>>) semaphore(%arg9 : memref<!tpu.dma_semaphore, #tpu.memory_space<semaphore_mem>>)
      %mul3A_126 = arith.constant 200 : i32
      %mul3A_127 = arith.muli %add3A_92, %mul3A_126 : i32
      %add3A_128 = arith.constant 120 : i32
      %add3A_129 = arith.addi %mul3A_127, %add3A_128 : i32
      %dma_start3A_130 = arith.constant 120 : i32
      %dma_start3A_131 = arith.constant 0 : i32
      %dma_start3A_132 = tpu.memref_slice %arg7[%dma_start3A_130, %dma_start3A_131] : memref<200x64xf32, #tpu.memory_space<vmem>> -> memref<40x64xf32, #tpu.memory_space<vmem>>
      %dma_start3A_133 = tpu.memref_slice %arg5[%add3A_129] : memref<5008xi32, #tpu.memory_space<vmem>> -> memref<40xi32, #tpu.memory_space<vmem>>
      %dma_start3A_134 = arith.constant 0 : i32
      %dma_start3A_135 = arith.constant 0 : i32
      %dma_start3A_136 = tpu.memref_slice %arg3[%dma_start3A_134, %dma_start3A_135] : memref<76032x64xf32, #tpu.memory_space<hbm>> -> memref<76032x64xf32, #tpu.memory_space<hbm>>
      tpu.enqueue_indirect_dma source(%dma_start3A_136 : memref<76032x64xf32, #tpu.memory_space<hbm>>) target(%dma_start3A_132 : memref<40x64xf32, #tpu.memory_space<vmem>>) offsets(%dma_start3A_133 : memref<40xi32, #tpu.memory_space<vmem>>) semaphore(%arg9 : memref<!tpu.dma_semaphore, #tpu.memory_space<semaphore_mem>>)
      %mul3A_137 = arith.constant 200 : i32
      %mul3A_138 = arith.muli %add3A_92, %mul3A_137 : i32
      %add3A_139 = arith.constant 160 : i32
      %add3A_140 = arith.addi %mul3A_138, %add3A_139 : i32
      %dma_start3A_141 = arith.constant 160 : i32
      %dma_start3A_142 = arith.constant 0 : i32
      %dma_start3A_143 = tpu.memref_slice %arg7[%dma_start3A_141, %dma_start3A_142] : memref<200x64xf32, #tpu.memory_space<vmem>> -> memref<40x64xf32, #tpu.memory_space<vmem>>
      %dma_start3A_144 = tpu.memref_slice %arg5[%add3A_140] : memref<5008xi32, #tpu.memory_space<vmem>> -> memref<40xi32, #tpu.memory_space<vmem>>
      %dma_start3A_145 = arith.constant 0 : i32
      %dma_start3A_146 = arith.constant 0 : i32
      %dma_start3A_147 = tpu.memref_slice %arg3[%dma_start3A_145, %dma_start3A_146] : memref<76032x64xf32, #tpu.memory_space<hbm>> -> memref<76032x64xf32, #tpu.memory_space<hbm>>
      tpu.enqueue_indirect_dma source(%dma_start3A_147 : memref<76032x64xf32, #tpu.memory_space<hbm>>) target(%dma_start3A_143 : memref<40x64xf32, #tpu.memory_space<vmem>>) offsets(%dma_start3A_144 : memref<40xi32, #tpu.memory_space<vmem>>) semaphore(%arg9 : memref<!tpu.dma_semaphore, #tpu.memory_space<semaphore_mem>>)
      %dma_wait3A_148 = arith.constant 0 : i32
      %dma_wait3A_149 = arith.constant 0 : i32
      %dma_wait3A_150 = tpu.memref_slice %arg6[%dma_wait3A_148, %dma_wait3A_149] : memref<200x64xf32, #tpu.memory_space<vmem>> -> memref<40x64xf32, #tpu.memory_space<vmem>>
      %dma_wait3A_151 = arith.constant 0 : i32
      %dma_wait3A_152 = tpu.memref_slice %arg5[%dma_wait3A_151] : memref<5008xi32, #tpu.memory_space<vmem>> -> memref<40xi32, #tpu.memory_space<vmem>>
      %dma_wait3A_153 = arith.constant 0 : i32
      %dma_wait3A_154 = arith.constant 0 : i32
      %dma_wait3A_155 = tpu.memref_slice %arg3[%dma_wait3A_153, %dma_wait3A_154] : memref<76032x64xf32, #tpu.memory_space<hbm>> -> memref<76032x64xf32, #tpu.memory_space<hbm>>
      tpu.wait_indirect_dma semaphore(%arg8 : memref<!tpu.dma_semaphore, #tpu.memory_space<semaphore_mem>>) src(%dma_wait3A_155 : memref<76032x64xf32, #tpu.memory_space<hbm>>) dst(%dma_wait3A_150 : memref<40x64xf32, #tpu.memory_space<vmem>>)
      %dma_wait3A_156 = arith.constant 40 : i32
      %dma_wait3A_157 = arith.constant 0 : i32
      %dma_wait3A_158 = tpu.memref_slice %arg6[%dma_wait3A_156, %dma_wait3A_157] : memref<200x64xf32, #tpu.memory_space<vmem>> -> memref<40x64xf32, #tpu.memory_space<vmem>>
      %dma_wait3A_159 = arith.constant 40 : i32
      %dma_wait3A_160 = tpu.memref_slice %arg5[%dma_wait3A_159] : memref<5008xi32, #tpu.memory_space<vmem>> -> memref<40xi32, #tpu.memory_space<vmem>>
      %dma_wait3A_161 = arith.constant 0 : i32
      %dma_wait3A_162 = arith.constant 0 : i32
      %dma_wait3A_163 = tpu.memref_slice %arg3[%dma_wait3A_161, %dma_wait3A_162] : memref<76032x64xf32, #tpu.memory_space<hbm>> -> memref<76032x64xf32, #tpu.memory_space<hbm>>
      tpu.wait_indirect_dma semaphore(%arg8 : memref<!tpu.dma_semaphore, #tpu.memory_space<semaphore_mem>>) src(%dma_wait3A_163 : memref<76032x64xf32, #tpu.memory_space<hbm>>) dst(%dma_wait3A_158 : memref<40x64xf32, #tpu.memory_space<vmem>>)
      %dma_wait3A_164 = arith.constant 80 : i32
      %dma_wait3A_165 = arith.constant 0 : i32
      %dma_wait3A_166 = tpu.memref_slice %arg6[%dma_wait3A_164, %dma_wait3A_165] : memref<200x64xf32, #tpu.memory_space<vmem>> -> memref<40x64xf32, #tpu.memory_space<vmem>>
      %dma_wait3A_167 = arith.constant 80 : i32
      %dma_wait3A_168 = tpu.memref_slice %arg5[%dma_wait3A_167] : memref<5008xi32, #tpu.memory_space<vmem>> -> memref<40xi32, #tpu.memory_space<vmem>>
      %dma_wait3A_169 = arith.constant 0 : i32
      %dma_wait3A_170 = arith.constant 0 : i32
      %dma_wait3A_171 = tpu.memref_slice %arg3[%dma_wait3A_169, %dma_wait3A_170] : memref<76032x64xf32, #tpu.memory_space<hbm>> -> memref<76032x64xf32, #tpu.memory_space<hbm>>
      tpu.wait_indirect_dma semaphore(%arg8 : memref<!tpu.dma_semaphore, #tpu.memory_space<semaphore_mem>>) src(%dma_wait3A_171 : memref<76032x64xf32, #tpu.memory_space<hbm>>) dst(%dma_wait3A_166 : memref<40x64xf32, #tpu.memory_space<vmem>>)
      %dma_wait3A_172 = arith.constant 120 : i32
      %dma_wait3A_173 = arith.constant 0 : i32
      %dma_wait3A_174 = tpu.memref_slice %arg6[%dma_wait3A_172, %dma_wait3A_173] : memref<200x64xf32, #tpu.memory_space<vmem>> -> memref<40x64xf32, #tpu.memory_space<vmem>>
      %dma_wait3A_175 = arith.constant 120 : i32
      %dma_wait3A_176 = tpu.memref_slice %arg5[%dma_wait3A_175] : memref<5008xi32, #tpu.memory_space<vmem>> -> memref<40xi32, #tpu.memory_space<vmem>>
      %dma_wait3A_177 = arith.constant 0 : i32
      %dma_wait3A_178 = arith.constant 0 : i32
      %dma_wait3A_179 = tpu.memref_slice %arg3[%dma_wait3A_177, %dma_wait3A_178] : memref<76032x64xf32, #tpu.memory_space<hbm>> -> memref<76032x64xf32, #tpu.memory_space<hbm>>
      tpu.wait_indirect_dma semaphore(%arg8 : memref<!tpu.dma_semaphore, #tpu.memory_space<semaphore_mem>>) src(%dma_wait3A_179 : memref<76032x64xf32, #tpu.memory_space<hbm>>) dst(%dma_wait3A_174 : memref<40x64xf32, #tpu.memory_space<vmem>>)
      %dma_wait3A_180 = arith.constant 160 : i32
      %dma_wait3A_181 = arith.constant 0 : i32
      %dma_wait3A_182 = tpu.memref_slice %arg6[%dma_wait3A_180, %dma_wait3A_181] : memref<200x64xf32, #tpu.memory_space<vmem>> -> memref<40x64xf32, #tpu.memory_space<vmem>>
      %dma_wait3A_183 = arith.constant 160 : i32
      %dma_wait3A_184 = tpu.memref_slice %arg5[%dma_wait3A_183] : memref<5008xi32, #tpu.memory_space<vmem>> -> memref<40xi32, #tpu.memory_space<vmem>>
      %dma_wait3A_185 = arith.constant 0 : i32
      %dma_wait3A_186 = arith.constant 0 : i32
      %dma_wait3A_187 = tpu.memref_slice %arg3[%dma_wait3A_185, %dma_wait3A_186] : memref<76032x64xf32, #tpu.memory_space<hbm>> -> memref<76032x64xf32, #tpu.memory_space<hbm>>
      tpu.wait_indirect_dma semaphore(%arg8 : memref<!tpu.dma_semaphore, #tpu.memory_space<semaphore_mem>>) src(%dma_wait3A_187 : memref<76032x64xf32, #tpu.memory_space<hbm>>) dst(%dma_wait3A_182 : memref<40x64xf32, #tpu.memory_space<vmem>>)
      %mul3A_188 = arith.constant 200 : i32
      %mul3A_189 = arith.muli %mul3A_90, %mul3A_188 : i32
      %add3A_190 = arith.addi %mul3A_2, %mul3A_189 : i32
      "tpu.region"() ({
        %run_scoped3A = tpu.sem_alloc : memref<!tpu.dma_semaphore, #tpu.memory_space<semaphore_mem>>
        %dma_start3A_293 = arith.constant 0 : i32
        %dma_start3A_294 = tpu.memref_slice %arg4[%add3A_190, %dma_start3A_293] : memref<160000x64xf32, #tpu.memory_space<hbm>> -> memref<200x64xf32, #tpu.memory_space<hbm>>
        %dma_start3A_295 = arith.constant 0 : i32
        %dma_start3A_296 = tpu.memref_slice %arg4[%add3A_190, %dma_start3A_295] : memref<160000x64xf32, #tpu.memory_space<hbm>> -> memref<200x64xf32, #tpu.memory_space<hbm>>
        tpu.enqueue_dma source(%arg6 : memref<200x64xf32, #tpu.memory_space<vmem>>) target(%dma_start3A_296 : memref<200x64xf32, #tpu.memory_space<hbm>>) target_semaphore(%run_scoped3A : memref<!tpu.dma_semaphore, #tpu.memory_space<semaphore_mem>>)
        %dma_wait3A_297 = arith.constant 0 : i32
        %dma_wait3A_298 = tpu.memref_slice %arg4[%add3A_190, %dma_wait3A_297] : memref<160000x64xf32, #tpu.memory_space<hbm>> -> memref<200x64xf32, #tpu.memory_space<hbm>>
        %dma_wait3A_299 = arith.constant 0 : i32
        %dma_wait3A_300 = tpu.memref_slice %arg4[%add3A_190, %dma_wait3A_299] : memref<160000x64xf32, #tpu.memory_space<hbm>> -> memref<200x64xf32, #tpu.memory_space<hbm>>
        tpu.wait_dma2 semaphore(%run_scoped3A : memref<!tpu.dma_semaphore, #tpu.memory_space<semaphore_mem>>) src(%arg6 : memref<200x64xf32, #tpu.memory_space<vmem>>) dst(%dma_wait3A_300 : memref<200x64xf32, #tpu.memory_space<hbm>>)
        tpu.yield
      }) : () -> ()
      %add3A_191 = arith.constant 2 : i32
      %add3A_192 = arith.addi %mul3A_90, %add3A_191 : i32
      %mul3A_193 = arith.constant 200 : i32
      %mul3A_194 = arith.muli %add3A_192, %mul3A_193 : i32
      %add3A_195 = arith.constant 0 : i32
      %add3A_196 = arith.addi %mul3A_194, %add3A_195 : i32
      %dma_start3A_197 = arith.constant 0 : i32
      %dma_start3A_198 = arith.constant 0 : i32
      %dma_start3A_199 = tpu.memref_slice %arg6[%dma_start3A_197, %dma_start3A_198] : memref<200x64xf32, #tpu.memory_space<vmem>> -> memref<40x64xf32, #tpu.memory_space<vmem>>
      %dma_start3A_200 = tpu.memref_slice %arg5[%add3A_196] : memref<5008xi32, #tpu.memory_space<vmem>> -> memref<40xi32, #tpu.memory_space<vmem>>
      %dma_start3A_201 = arith.constant 0 : i32
      %dma_start3A_202 = arith.constant 0 : i32
      %dma_start3A_203 = tpu.memref_slice %arg3[%dma_start3A_201, %dma_start3A_202] : memref<76032x64xf32, #tpu.memory_space<hbm>> -> memref<76032x64xf32, #tpu.memory_space<hbm>>
      tpu.enqueue_indirect_dma source(%dma_start3A_203 : memref<76032x64xf32, #tpu.memory_space<hbm>>) target(%dma_start3A_199 : memref<40x64xf32, #tpu.memory_space<vmem>>) offsets(%dma_start3A_200 : memref<40xi32, #tpu.memory_space<vmem>>) semaphore(%arg8 : memref<!tpu.dma_semaphore, #tpu.memory_space<semaphore_mem>>)
      %mul3A_204 = arith.constant 200 : i32
      %mul3A_205 = arith.muli %add3A_192, %mul3A_204 : i32
      %add3A_206 = arith.constant 40 : i32
      %add3A_207 = arith.addi %mul3A_205, %add3A_206 : i32
      %dma_start3A_208 = arith.constant 40 : i32
      %dma_start3A_209 = arith.constant 0 : i32
      %dma_start3A_210 = tpu.memref_slice %arg6[%dma_start3A_208, %dma_start3A_209] : memref<200x64xf32, #tpu.memory_space<vmem>> -> memref<40x64xf32, #tpu.memory_space<vmem>>
      %dma_start3A_211 = tpu.memref_slice %arg5[%add3A_207] : memref<5008xi32, #tpu.memory_space<vmem>> -> memref<40xi32, #tpu.memory_space<vmem>>
      %dma_start3A_212 = arith.constant 0 : i32
      %dma_start3A_213 = arith.constant 0 : i32
      %dma_start3A_214 = tpu.memref_slice %arg3[%dma_start3A_212, %dma_start3A_213] : memref<76032x64xf32, #tpu.memory_space<hbm>> -> memref<76032x64xf32, #tpu.memory_space<hbm>>
      tpu.enqueue_indirect_dma source(%dma_start3A_214 : memref<76032x64xf32, #tpu.memory_space<hbm>>) target(%dma_start3A_210 : memref<40x64xf32, #tpu.memory_space<vmem>>) offsets(%dma_start3A_211 : memref<40xi32, #tpu.memory_space<vmem>>) semaphore(%arg8 : memref<!tpu.dma_semaphore, #tpu.memory_space<semaphore_mem>>)
      %mul3A_215 = arith.constant 200 : i32
      %mul3A_216 = arith.muli %add3A_192, %mul3A_215 : i32
      %add3A_217 = arith.constant 80 : i32
      %add3A_218 = arith.addi %mul3A_216, %add3A_217 : i32
      %dma_start3A_219 = arith.constant 80 : i32
      %dma_start3A_220 = arith.constant 0 : i32
      %dma_start3A_221 = tpu.memref_slice %arg6[%dma_start3A_219, %dma_start3A_220] : memref<200x64xf32, #tpu.memory_space<vmem>> -> memref<40x64xf32, #tpu.memory_space<vmem>>
      %dma_start3A_222 = tpu.memref_slice %arg5[%add3A_218] : memref<5008xi32, #tpu.memory_space<vmem>> -> memref<40xi32, #tpu.memory_space<vmem>>
      %dma_start3A_223 = arith.constant 0 : i32
      %dma_start3A_224 = arith.constant 0 : i32
      %dma_start3A_225 = tpu.memref_slice %arg3[%dma_start3A_223, %dma_start3A_224] : memref<76032x64xf32, #tpu.memory_space<hbm>> -> memref<76032x64xf32, #tpu.memory_space<hbm>>
      tpu.enqueue_indirect_dma source(%dma_start3A_225 : memref<76032x64xf32, #tpu.memory_space<hbm>>) target(%dma_start3A_221 : memref<40x64xf32, #tpu.memory_space<vmem>>) offsets(%dma_start3A_222 : memref<40xi32, #tpu.memory_space<vmem>>) semaphore(%arg8 : memref<!tpu.dma_semaphore, #tpu.memory_space<semaphore_mem>>)
      %mul3A_226 = arith.constant 200 : i32
      %mul3A_227 = arith.muli %add3A_192, %mul3A_226 : i32
      %add3A_228 = arith.constant 120 : i32
      %add3A_229 = arith.addi %mul3A_227, %add3A_228 : i32
      %dma_start3A_230 = arith.constant 120 : i32
      %dma_start3A_231 = arith.constant 0 : i32
      %dma_start3A_232 = tpu.memref_slice %arg6[%dma_start3A_230, %dma_start3A_231] : memref<200x64xf32, #tpu.memory_space<vmem>> -> memref<40x64xf32, #tpu.memory_space<vmem>>
      %dma_start3A_233 = tpu.memref_slice %arg5[%add3A_229] : memref<5008xi32, #tpu.memory_space<vmem>> -> memref<40xi32, #tpu.memory_space<vmem>>
      %dma_start3A_234 = arith.constant 0 : i32
      %dma_start3A_235 = arith.constant 0 : i32
      %dma_start3A_236 = tpu.memref_slice %arg3[%dma_start3A_234, %dma_start3A_235] : memref<76032x64xf32, #tpu.memory_space<hbm>> -> memref<76032x64xf32, #tpu.memory_space<hbm>>
      tpu.enqueue_indirect_dma source(%dma_start3A_236 : memref<76032x64xf32, #tpu.memory_space<hbm>>) target(%dma_start3A_232 : memref<40x64xf32, #tpu.memory_space<vmem>>) offsets(%dma_start3A_233 : memref<40xi32, #tpu.memory_space<vmem>>) semaphore(%arg8 : memref<!tpu.dma_semaphore, #tpu.memory_space<semaphore_mem>>)
      %mul3A_237 = arith.constant 200 : i32
      %mul3A_238 = arith.muli %add3A_192, %mul3A_237 : i32
      %add3A_239 = arith.constant 160 : i32
      %add3A_240 = arith.addi %mul3A_238, %add3A_239 : i32
      %dma_start3A_241 = arith.constant 160 : i32
      %dma_start3A_242 = arith.constant 0 : i32
      %dma_start3A_243 = tpu.memref_slice %arg6[%dma_start3A_241, %dma_start3A_242] : memref<200x64xf32, #tpu.memory_space<vmem>> -> memref<40x64xf32, #tpu.memory_space<vmem>>
      %dma_start3A_244 = tpu.memref_slice %arg5[%add3A_240] : memref<5008xi32, #tpu.memory_space<vmem>> -> memref<40xi32, #tpu.memory_space<vmem>>
      %dma_start3A_245 = arith.constant 0 : i32
      %dma_start3A_246 = arith.constant 0 : i32
      %dma_start3A_247 = tpu.memref_slice %arg3[%dma_start3A_245, %dma_start3A_246] : memref<76032x64xf32, #tpu.memory_space<hbm>> -> memref<76032x64xf32, #tpu.memory_space<hbm>>
      tpu.enqueue_indirect_dma source(%dma_start3A_247 : memref<76032x64xf32, #tpu.memory_space<hbm>>) target(%dma_start3A_243 : memref<40x64xf32, #tpu.memory_space<vmem>>) offsets(%dma_start3A_244 : memref<40xi32, #tpu.memory_space<vmem>>) semaphore(%arg8 : memref<!tpu.dma_semaphore, #tpu.memory_space<semaphore_mem>>)
      %dma_wait3A_248 = arith.constant 0 : i32
      %dma_wait3A_249 = arith.constant 0 : i32
      %dma_wait3A_250 = tpu.memref_slice %arg7[%dma_wait3A_248, %dma_wait3A_249] : memref<200x64xf32, #tpu.memory_space<vmem>> -> memref<40x64xf32, #tpu.memory_space<vmem>>
      %dma_wait3A_251 = arith.constant 0 : i32
      %dma_wait3A_252 = tpu.memref_slice %arg5[%dma_wait3A_251] : memref<5008xi32, #tpu.memory_space<vmem>> -> memref<40xi32, #tpu.memory_space<vmem>>
      %dma_wait3A_253 = arith.constant 0 : i32
      %dma_wait3A_254 = arith.constant 0 : i32
      %dma_wait3A_255 = tpu.memref_slice %arg3[%dma_wait3A_253, %dma_wait3A_254] : memref<76032x64xf32, #tpu.memory_space<hbm>> -> memref<76032x64xf32, #tpu.memory_space<hbm>>
      tpu.wait_indirect_dma semaphore(%arg9 : memref<!tpu.dma_semaphore, #tpu.memory_space<semaphore_mem>>) src(%dma_wait3A_255 : memref<76032x64xf32, #tpu.memory_space<hbm>>) dst(%dma_wait3A_250 : memref<40x64xf32, #tpu.memory_space<vmem>>)
      %dma_wait3A_256 = arith.constant 40 : i32
      %dma_wait3A_257 = arith.constant 0 : i32
      %dma_wait3A_258 = tpu.memref_slice %arg7[%dma_wait3A_256, %dma_wait3A_257] : memref<200x64xf32, #tpu.memory_space<vmem>> -> memref<40x64xf32, #tpu.memory_space<vmem>>
      %dma_wait3A_259 = arith.constant 40 : i32
      %dma_wait3A_260 = tpu.memref_slice %arg5[%dma_wait3A_259] : memref<5008xi32, #tpu.memory_space<vmem>> -> memref<40xi32, #tpu.memory_space<vmem>>
      %dma_wait3A_261 = arith.constant 0 : i32
      %dma_wait3A_262 = arith.constant 0 : i32
      %dma_wait3A_263 = tpu.memref_slice %arg3[%dma_wait3A_261, %dma_wait3A_262] : memref<76032x64xf32, #tpu.memory_space<hbm>> -> memref<76032x64xf32, #tpu.memory_space<hbm>>
      tpu.wait_indirect_dma semaphore(%arg9 : memref<!tpu.dma_semaphore, #tpu.memory_space<semaphore_mem>>) src(%dma_wait3A_263 : memref<76032x64xf32, #tpu.memory_space<hbm>>) dst(%dma_wait3A_258 : memref<40x64xf32, #tpu.memory_space<vmem>>)
      %dma_wait3A_264 = arith.constant 80 : i32
      %dma_wait3A_265 = arith.constant 0 : i32
      %dma_wait3A_266 = tpu.memref_slice %arg7[%dma_wait3A_264, %dma_wait3A_265] : memref<200x64xf32, #tpu.memory_space<vmem>> -> memref<40x64xf32, #tpu.memory_space<vmem>>
      %dma_wait3A_267 = arith.constant 80 : i32
      %dma_wait3A_268 = tpu.memref_slice %arg5[%dma_wait3A_267] : memref<5008xi32, #tpu.memory_space<vmem>> -> memref<40xi32, #tpu.memory_space<vmem>>
      %dma_wait3A_269 = arith.constant 0 : i32
      %dma_wait3A_270 = arith.constant 0 : i32
      %dma_wait3A_271 = tpu.memref_slice %arg3[%dma_wait3A_269, %dma_wait3A_270] : memref<76032x64xf32, #tpu.memory_space<hbm>> -> memref<76032x64xf32, #tpu.memory_space<hbm>>
      tpu.wait_indirect_dma semaphore(%arg9 : memref<!tpu.dma_semaphore, #tpu.memory_space<semaphore_mem>>) src(%dma_wait3A_271 : memref<76032x64xf32, #tpu.memory_space<hbm>>) dst(%dma_wait3A_266 : memref<40x64xf32, #tpu.memory_space<vmem>>)
      %dma_wait3A_272 = arith.constant 120 : i32
      %dma_wait3A_273 = arith.constant 0 : i32
      %dma_wait3A_274 = tpu.memref_slice %arg7[%dma_wait3A_272, %dma_wait3A_273] : memref<200x64xf32, #tpu.memory_space<vmem>> -> memref<40x64xf32, #tpu.memory_space<vmem>>
      %dma_wait3A_275 = arith.constant 120 : i32
      %dma_wait3A_276 = tpu.memref_slice %arg5[%dma_wait3A_275] : memref<5008xi32, #tpu.memory_space<vmem>> -> memref<40xi32, #tpu.memory_space<vmem>>
      %dma_wait3A_277 = arith.constant 0 : i32
      %dma_wait3A_278 = arith.constant 0 : i32
      %dma_wait3A_279 = tpu.memref_slice %arg3[%dma_wait3A_277, %dma_wait3A_278] : memref<76032x64xf32, #tpu.memory_space<hbm>> -> memref<76032x64xf32, #tpu.memory_space<hbm>>
      tpu.wait_indirect_dma semaphore(%arg9 : memref<!tpu.dma_semaphore, #tpu.memory_space<semaphore_mem>>) src(%dma_wait3A_279 : memref<76032x64xf32, #tpu.memory_space<hbm>>) dst(%dma_wait3A_274 : memref<40x64xf32, #tpu.memory_space<vmem>>)
      %dma_wait3A_280 = arith.constant 160 : i32
      %dma_wait3A_281 = arith.constant 0 : i32
      %dma_wait3A_282 = tpu.memref_slice %arg7[%dma_wait3A_280, %dma_wait3A_281] : memref<200x64xf32, #tpu.memory_space<vmem>> -> memref<40x64xf32, #tpu.memory_space<vmem>>
      %dma_wait3A_283 = arith.constant 160 : i32
      %dma_wait3A_284 = tpu.memref_slice %arg5[%dma_wait3A_283] : memref<5008xi32, #tpu.memory_space<vmem>> -> memref<40xi32, #tpu.memory_space<vmem>>
      %dma_wait3A_285 = arith.constant 0 : i32
      %dma_wait3A_286 = arith.constant 0 : i32
      %dma_wait3A_287 = tpu.memref_slice %arg3[%dma_wait3A_285, %dma_wait3A_286] : memref<76032x64xf32, #tpu.memory_space<hbm>> -> memref<76032x64xf32, #tpu.memory_space<hbm>>
      tpu.wait_indirect_dma semaphore(%arg9 : memref<!tpu.dma_semaphore, #tpu.memory_space<semaphore_mem>>) src(%dma_wait3A_287 : memref<76032x64xf32, #tpu.memory_space<hbm>>) dst(%dma_wait3A_282 : memref<40x64xf32, #tpu.memory_space<vmem>>)
      %add3A_288 = arith.constant 1 : i32
      %add3A_289 = arith.addi %mul3A_90, %add3A_288 : i32
      %mul3A_290 = arith.constant 200 : i32
      %mul3A_291 = arith.muli %add3A_289, %mul3A_290 : i32
      %add3A_292 = arith.addi %mul3A_2, %mul3A_291 : i32
      "tpu.region"() ({
        %run_scoped3A = tpu.sem_alloc : memref<!tpu.dma_semaphore, #tpu.memory_space<semaphore_mem>>
        %dma_start3A_293 = arith.constant 0 : i32
        %dma_start3A_294 = tpu.memref_slice %arg4[%add3A_292, %dma_start3A_293] : memref<160000x64xf32, #tpu.memory_space<hbm>> -> memref<200x64xf32, #tpu.memory_space<hbm>>
        %dma_start3A_295 = arith.constant 0 : i32
        %dma_start3A_296 = tpu.memref_slice %arg4[%add3A_292, %dma_start3A_295] : memref<160000x64xf32, #tpu.memory_space<hbm>> -> memref<200x64xf32, #tpu.memory_space<hbm>>
        tpu.enqueue_dma source(%arg7 : memref<200x64xf32, #tpu.memory_space<vmem>>) target(%dma_start3A_296 : memref<200x64xf32, #tpu.memory_space<hbm>>) target_semaphore(%run_scoped3A : memref<!tpu.dma_semaphore, #tpu.memory_space<semaphore_mem>>)
        %dma_wait3A_297 = arith.constant 0 : i32
        %dma_wait3A_298 = tpu.memref_slice %arg4[%add3A_292, %dma_wait3A_297] : memref<160000x64xf32, #tpu.memory_space<hbm>> -> memref<200x64xf32, #tpu.memory_space<hbm>>
        %dma_wait3A_299 = arith.constant 0 : i32
        %dma_wait3A_300 = tpu.memref_slice %arg4[%add3A_292, %dma_wait3A_299] : memref<160000x64xf32, #tpu.memory_space<hbm>> -> memref<200x64xf32, #tpu.memory_space<hbm>>
        tpu.wait_dma2 semaphore(%run_scoped3A : memref<!tpu.dma_semaphore, #tpu.memory_space<semaphore_mem>>) src(%arg7 : memref<200x64xf32, #tpu.memory_space<vmem>>) dst(%dma_wait3A_300 : memref<200x64xf32, #tpu.memory_space<hbm>>)
        tpu.yield
      }) : () -> ()
    }
    %scan3A_46 = arith.constant 12 : i32
    %dma_wait3A = arith.constant 0 : i32
    %dma_wait3A_47 = arith.constant 0 : i32
    %dma_wait3A_48 = tpu.memref_slice %arg6[%dma_wait3A, %dma_wait3A_47] : memref<200x64xf32, #tpu.memory_space<vmem>> -> memref<40x64xf32, #tpu.memory_space<vmem>>
    %dma_wait3A_49 = arith.constant 0 : i32
    %dma_wait3A_50 = tpu.memref_slice %arg5[%dma_wait3A_49] : memref<5008xi32, #tpu.memory_space<vmem>> -> memref<40xi32, #tpu.memory_space<vmem>>
    %dma_wait3A_51 = arith.constant 0 : i32
    %dma_wait3A_52 = arith.constant 0 : i32
    %dma_wait3A_53 = tpu.memref_slice %arg3[%dma_wait3A_51, %dma_wait3A_52] : memref<76032x64xf32, #tpu.memory_space<hbm>> -> memref<76032x64xf32, #tpu.memory_space<hbm>>
    tpu.wait_indirect_dma semaphore(%arg8 : memref<!tpu.dma_semaphore, #tpu.memory_space<semaphore_mem>>) src(%dma_wait3A_53 : memref<76032x64xf32, #tpu.memory_space<hbm>>) dst(%dma_wait3A_48 : memref<40x64xf32, #tpu.memory_space<vmem>>)
    %dma_wait3A_54 = arith.constant 40 : i32
    %dma_wait3A_55 = arith.constant 0 : i32
    %dma_wait3A_56 = tpu.memref_slice %arg6[%dma_wait3A_54, %dma_wait3A_55] : memref<200x64xf32, #tpu.memory_space<vmem>> -> memref<40x64xf32, #tpu.memory_space<vmem>>
    %dma_wait3A_57 = arith.constant 40 : i32
    %dma_wait3A_58 = tpu.memref_slice %arg5[%dma_wait3A_57] : memref<5008xi32, #tpu.memory_space<vmem>> -> memref<40xi32, #tpu.memory_space<vmem>>
    %dma_wait3A_59 = arith.constant 0 : i32
    %dma_wait3A_60 = arith.constant 0 : i32
    %dma_wait3A_61 = tpu.memref_slice %arg3[%dma_wait3A_59, %dma_wait3A_60] : memref<76032x64xf32, #tpu.memory_space<hbm>> -> memref<76032x64xf32, #tpu.memory_space<hbm>>
    tpu.wait_indirect_dma semaphore(%arg8 : memref<!tpu.dma_semaphore, #tpu.memory_space<semaphore_mem>>) src(%dma_wait3A_61 : memref<76032x64xf32, #tpu.memory_space<hbm>>) dst(%dma_wait3A_56 : memref<40x64xf32, #tpu.memory_space<vmem>>)
    %dma_wait3A_62 = arith.constant 80 : i32
    %dma_wait3A_63 = arith.constant 0 : i32
    %dma_wait3A_64 = tpu.memref_slice %arg6[%dma_wait3A_62, %dma_wait3A_63] : memref<200x64xf32, #tpu.memory_space<vmem>> -> memref<40x64xf32, #tpu.memory_space<vmem>>
    %dma_wait3A_65 = arith.constant 80 : i32
    %dma_wait3A_66 = tpu.memref_slice %arg5[%dma_wait3A_65] : memref<5008xi32, #tpu.memory_space<vmem>> -> memref<40xi32, #tpu.memory_space<vmem>>
    %dma_wait3A_67 = arith.constant 0 : i32
    %dma_wait3A_68 = arith.constant 0 : i32
    %dma_wait3A_69 = tpu.memref_slice %arg3[%dma_wait3A_67, %dma_wait3A_68] : memref<76032x64xf32, #tpu.memory_space<hbm>> -> memref<76032x64xf32, #tpu.memory_space<hbm>>
    tpu.wait_indirect_dma semaphore(%arg8 : memref<!tpu.dma_semaphore, #tpu.memory_space<semaphore_mem>>) src(%dma_wait3A_69 : memref<76032x64xf32, #tpu.memory_space<hbm>>) dst(%dma_wait3A_64 : memref<40x64xf32, #tpu.memory_space<vmem>>)
    %dma_wait3A_70 = arith.constant 120 : i32
    %dma_wait3A_71 = arith.constant 0 : i32
    %dma_wait3A_72 = tpu.memref_slice %arg6[%dma_wait3A_70, %dma_wait3A_71] : memref<200x64xf32, #tpu.memory_space<vmem>> -> memref<40x64xf32, #tpu.memory_space<vmem>>
    %dma_wait3A_73 = arith.constant 120 : i32
    %dma_wait3A_74 = tpu.memref_slice %arg5[%dma_wait3A_73] : memref<5008xi32, #tpu.memory_space<vmem>> -> memref<40xi32, #tpu.memory_space<vmem>>
    %dma_wait3A_75 = arith.constant 0 : i32
    %dma_wait3A_76 = arith.constant 0 : i32
    %dma_wait3A_77 = tpu.memref_slice %arg3[%dma_wait3A_75, %dma_wait3A_76] : memref<76032x64xf32, #tpu.memory_space<hbm>> -> memref<76032x64xf32, #tpu.memory_space<hbm>>
    tpu.wait_indirect_dma semaphore(%arg8 : memref<!tpu.dma_semaphore, #tpu.memory_space<semaphore_mem>>) src(%dma_wait3A_77 : memref<76032x64xf32, #tpu.memory_space<hbm>>) dst(%dma_wait3A_72 : memref<40x64xf32, #tpu.memory_space<vmem>>)
    %dma_wait3A_78 = arith.constant 160 : i32
    %dma_wait3A_79 = arith.constant 0 : i32
    %dma_wait3A_80 = tpu.memref_slice %arg6[%dma_wait3A_78, %dma_wait3A_79] : memref<200x64xf32, #tpu.memory_space<vmem>> -> memref<40x64xf32, #tpu.memory_space<vmem>>
    %dma_wait3A_81 = arith.constant 160 : i32
    %dma_wait3A_82 = tpu.memref_slice %arg5[%dma_wait3A_81] : memref<5008xi32, #tpu.memory_space<vmem>> -> memref<40xi32, #tpu.memory_space<vmem>>
    %dma_wait3A_83 = arith.constant 0 : i32
    %dma_wait3A_84 = arith.constant 0 : i32
    %dma_wait3A_85 = tpu.memref_slice %arg3[%dma_wait3A_83, %dma_wait3A_84] : memref<76032x64xf32, #tpu.memory_space<hbm>> -> memref<76032x64xf32, #tpu.memory_space<hbm>>
    tpu.wait_indirect_dma semaphore(%arg8 : memref<!tpu.dma_semaphore, #tpu.memory_space<semaphore_mem>>) src(%dma_wait3A_85 : memref<76032x64xf32, #tpu.memory_space<hbm>>) dst(%dma_wait3A_80 : memref<40x64xf32, #tpu.memory_space<vmem>>)
    %add3A_86 = arith.constant 4800 : i32
    %add3A_87 = arith.addi %mul3A_2, %add3A_86 : i32
    "tpu.region"() ({
      %run_scoped3A = tpu.sem_alloc : memref<!tpu.dma_semaphore, #tpu.memory_space<semaphore_mem>>
      %dma_start3A_88 = arith.constant 0 : i32
      %dma_start3A_89 = tpu.memref_slice %arg4[%add3A_87, %dma_start3A_88] : memref<160000x64xf32, #tpu.memory_space<hbm>> -> memref<200x64xf32, #tpu.memory_space<hbm>>
      %dma_start3A_90 = arith.constant 0 : i32
      %dma_start3A_91 = tpu.memref_slice %arg4[%add3A_87, %dma_start3A_90] : memref<160000x64xf32, #tpu.memory_space<hbm>> -> memref<200x64xf32, #tpu.memory_space<hbm>>
      tpu.enqueue_dma source(%arg6 : memref<200x64xf32, #tpu.memory_space<vmem>>) target(%dma_start3A_91 : memref<200x64xf32, #tpu.memory_space<hbm>>) target_semaphore(%run_scoped3A : memref<!tpu.dma_semaphore, #tpu.memory_space<semaphore_mem>>)
      %dma_wait3A_92 = arith.constant 0 : i32
      %dma_wait3A_93 = tpu.memref_slice %arg4[%add3A_87, %dma_wait3A_92] : memref<160000x64xf32, #tpu.memory_space<hbm>> -> memref<200x64xf32, #tpu.memory_space<hbm>>
      %dma_wait3A_94 = arith.constant 0 : i32
      %dma_wait3A_95 = tpu.memref_slice %arg4[%add3A_87, %dma_wait3A_94] : memref<160000x64xf32, #tpu.memory_space<hbm>> -> memref<200x64xf32, #tpu.memory_space<hbm>>
      tpu.wait_dma2 semaphore(%run_scoped3A : memref<!tpu.dma_semaphore, #tpu.memory_space<semaphore_mem>>) src(%arg6 : memref<200x64xf32, #tpu.memory_space<vmem>>) dst(%dma_wait3A_95 : memref<200x64xf32, #tpu.memory_space<hbm>>)
      tpu.yield
    }) : () -> ()
    return
  }
}

#map = affine_map<(d0, d1) -> (0)>
module attributes {stable_mosaic.version = 14 : i64} {
  func.func @_sc1_body(%arg0: i32, %arg1: i32, %arg2: memref<150000xi32, #tpu.memory_space<hbm>>, %arg3: memref<150000xi32, #tpu.memory_space<hbm>>, %arg4: memref<160000xi32, #tpu.memory_space<hbm>>, %arg5: memref<5008xi32, #tpu.memory_space<vmem>>, %arg6: memref<4000xi32, #tpu.memory_space<vmem>>, %arg7: memref<4000xi32, #tpu.memory_space<vmem>>, %arg8: memref<150000xi32, #tpu.memory_space<vmem_shared>>, %arg9: memref<150000xi32, #tpu.memory_space<vmem_shared>>, %arg10: memref<!tpu.dma_semaphore, #tpu.memory_space<semaphore_mem>>, %arg11: memref<!tpu.dma_semaphore, #tpu.memory_space<semaphore_mem>>) attributes {dimension_semantics = [#tpu.dimension_semantics<core_parallel>, #tpu.dimension_semantics<subcore_parallel>], iteration_bounds = array<i64: 2, 16>, scalar_prefetch = 0 : i64, scratch_operands = 7 : i64, tpu.core_type = #tpu.core_type<sc_vector_subcore>, window_params = [{transform_indices = #map}, {transform_indices = #map}, {transform_indices = #map}]} {
    %mul3A = arith.constant 2 : i32
    %mul3A_0 = arith.muli %arg1, %mul3A : i32
    %add3A = arith.addi %mul3A_0, %arg0 : i32
    %mul3A_1 = arith.constant 5000 : i32
    %mul3A_2 = arith.muli %add3A, %mul3A_1 : i32
    %iota3A = tpu.iota {dimensions = array<i32: 0>} : vector<16xi32>
    %eq3A = arith.constant 0 : i32
    %eq3A_3 = arith.cmpi eq, %arg1, %eq3A : i32
    %convert_element_type3A = arith.extui %eq3A_3 : i1 to i32
    %cond3A = arith.constant 0 : i32
    %cond3A_4 = arith.cmpi ne, %convert_element_type3A, %cond3A : i32
    scf.if %cond3A_4 {
      "tpu.region"() ({
        %run_scoped3A = tpu.sem_alloc : memref<!tpu.dma_semaphore, #tpu.memory_space<semaphore_mem>>
        tpu.enqueue_dma source(%arg3 : memref<150000xi32, #tpu.memory_space<hbm>>) target(%arg8 : memref<150000xi32, #tpu.memory_space<vmem_shared>>) target_semaphore(%run_scoped3A : memref<!tpu.dma_semaphore, #tpu.memory_space<semaphore_mem>>)
        tpu.wait_dma2 semaphore(%run_scoped3A : memref<!tpu.dma_semaphore, #tpu.memory_space<semaphore_mem>>) src(%arg3 : memref<150000xi32, #tpu.memory_space<hbm>>) dst(%arg8 : memref<150000xi32, #tpu.memory_space<vmem_shared>>)
        tpu.yield
      }) : () -> ()
      "tpu.region"() ({
        %run_scoped3A = tpu.sem_alloc : memref<!tpu.dma_semaphore, #tpu.memory_space<semaphore_mem>>
        tpu.enqueue_dma source(%arg2 : memref<150000xi32, #tpu.memory_space<hbm>>) target(%arg9 : memref<150000xi32, #tpu.memory_space<vmem_shared>>) target_semaphore(%run_scoped3A : memref<!tpu.dma_semaphore, #tpu.memory_space<semaphore_mem>>)
        tpu.wait_dma2 semaphore(%run_scoped3A : memref<!tpu.dma_semaphore, #tpu.memory_space<semaphore_mem>>) src(%arg2 : memref<150000xi32, #tpu.memory_space<hbm>>) dst(%arg9 : memref<150000xi32, #tpu.memory_space<vmem_shared>>)
        tpu.yield
      }) : () -> ()
    } else {
    }
    %scan3A = arith.constant 0 : i32
    %scan3A_5 = arith.constant 0 : i32
    %scan3A_6 = arith.constant 313 : i32
    %scan3A_7 = arith.addi %scan3A_5, %scan3A_6 : i32
    %scan3A_8 = arith.constant 1 : i32
    scf.for %scan3A_97 = %scan3A_5 to %scan3A_7 step %scan3A_8  : i32 {
      %mul3A_98 = arith.constant 16 : i32
      %mul3A_99 = arith.muli %scan3A_97, %mul3A_98 : i32
      %add3A_100 = vector.broadcast %mul3A_99 : i32 to vector<16xi32>
      %add3A_101 = arith.addi %add3A_100, %iota3A : vector<16xi32>
      %jit3A = arith.constant 6 : i32
      %eq3A_102 = arith.constant 0 : i32
      %eq3A_103 = arith.cmpi eq, %jit3A, %eq3A_102 : i32
      %jit3A_104 = arith.constant 1 : i32
      %select_n3A = arith.select %eq3A_103, %jit3A_104, %jit3A : i32
      %rem3A = vector.broadcast %select_n3A : i32 to vector<16xi32>
      %rem3A_105 = arith.remsi %add3A_101, %rem3A : vector<16xi32>
      %ne3A = arith.constant 0 : i32
      %ne3A_106 = vector.broadcast %ne3A : i32 to vector<16xi32>
      %ne3A_107 = arith.cmpi ne, %rem3A_105, %ne3A_106 : vector<16xi32>
      %lt3A = arith.constant 0 : i32
      %lt3A_108 = vector.broadcast %lt3A : i32 to vector<16xi32>
      %lt3A_109 = arith.cmpi slt, %rem3A_105, %lt3A_108 : vector<16xi32>
      %lt3A_110 = arith.constant 0 : i32
      %lt3A_111 = arith.cmpi slt, %select_n3A, %lt3A_110 : i32
      %ne3A_112 = vector.broadcast %lt3A_111 : i1 to vector<16xi1>
      %ne3A_113 = vector.broadcast %ne3A_112 : vector<16xi1> to vector<16xi1>
      %ne3A_114 = arith.xori %lt3A_109, %ne3A_113 : vector<16xi1>
      %and3A = arith.andi %ne3A_114, %ne3A_107 : vector<16xi1>
      %add3A_115 = vector.broadcast %select_n3A : i32 to vector<16xi32>
      %add3A_116 = arith.addi %rem3A_105, %add3A_115 : vector<16xi32>
      %select_n3A_117 = arith.select %and3A, %add3A_116, %rem3A_105 : vector<16xi1>, vector<16xi32>
      %mul3A_118 = arith.constant 12672 : i32
      %mul3A_119 = vector.broadcast %mul3A_118 : i32 to vector<16xi32>
      %mul3A_120 = arith.muli %select_n3A_117, %mul3A_119 : vector<16xi32>
      %add3A_121 = arith.constant 11264 : i32
      %add3A_122 = vector.broadcast %add3A_121 : i32 to vector<16xi32>
      %add3A_123 = arith.addi %mul3A_120, %add3A_122 : vector<16xi32>
      %jit3A_124 = arith.constant 1408 : i32
      %eq3A_125 = arith.constant 0 : i32
      %eq3A_126 = arith.cmpi eq, %jit3A_124, %eq3A_125 : i32
      %jit3A_127 = arith.constant 1 : i32
      %select_n3A_128 = arith.select %eq3A_126, %jit3A_127, %jit3A_124 : i32
      %rem3A_129 = vector.broadcast %select_n3A_128 : i32 to vector<16xi32>
      %rem3A_130 = arith.remsi %add3A_101, %rem3A_129 : vector<16xi32>
      %ne3A_131 = arith.constant 0 : i32
      %ne3A_132 = vector.broadcast %ne3A_131 : i32 to vector<16xi32>
      %ne3A_133 = arith.cmpi ne, %rem3A_130, %ne3A_132 : vector<16xi32>
      %lt3A_134 = arith.constant 0 : i32
      %lt3A_135 = vector.broadcast %lt3A_134 : i32 to vector<16xi32>
      %lt3A_136 = arith.cmpi slt, %rem3A_130, %lt3A_135 : vector<16xi32>
      %lt3A_137 = arith.constant 0 : i32
      %lt3A_138 = arith.cmpi slt, %select_n3A_128, %lt3A_137 : i32
      %ne3A_139 = vector.broadcast %lt3A_138 : i1 to vector<16xi1>
      %ne3A_140 = vector.broadcast %ne3A_139 : vector<16xi1> to vector<16xi1>
      %ne3A_141 = arith.xori %lt3A_136, %ne3A_140 : vector<16xi1>
      %and3A_142 = arith.andi %ne3A_141, %ne3A_133 : vector<16xi1>
      %add3A_143 = vector.broadcast %select_n3A_128 : i32 to vector<16xi32>
      %add3A_144 = arith.addi %rem3A_130, %add3A_143 : vector<16xi32>
      %select_n3A_145 = arith.select %and3A_142, %add3A_144, %rem3A_130 : vector<16xi1>, vector<16xi32>
      %add3A_146 = arith.addi %add3A_123, %select_n3A_145 : vector<16xi32>
      %mul3A_147 = arith.constant 16 : i32
      %mul3A_148 = arith.muli %scan3A_97, %mul3A_147 : i32
      %swap3A = arith.index_cast %mul3A_148 : i32 to index
      %swap3A_149 = tpu.vector_load %arg5[%swap3A] {strides = array<i32>} : memref<5008xi32, #tpu.memory_space<vmem>>, vector<16xi32>,
      tpu.vector_store %arg5[%swap3A], %add3A_146 {strides = array<i32>} : memref<5008xi32, #tpu.memory_space<vmem>>, vector<16xi32>,
    }
    %scan3A_9 = arith.constant 313 : i32
    %barrier3A = arith.constant 0 : index
    tpu.barrier barrier_id(%barrier3A)
    %dma_start3A = arith.constant 0 : i32
    %dma_start3A_10 = tpu.memref_slice %arg6[%dma_start3A] : memref<4000xi32, #tpu.memory_space<vmem>> -> memref<2000xi32, #tpu.memory_space<vmem>>
    %dma_start3A_11 = arith.constant 0 : i32
    %dma_start3A_12 = tpu.memref_slice %arg8[%dma_start3A_11] : memref<150000xi32, #tpu.memory_space<vmem_shared>> -> memref<2000xi32, #tpu.memory_space<vmem_shared>>
    %dma_start3A_13 = arith.constant 0 : i32
    %dma_start3A_14 = tpu.memref_slice %arg6[%dma_start3A_13] : memref<4000xi32, #tpu.memory_space<vmem>> -> memref<2000xi32, #tpu.memory_space<vmem>>
    %dma_start3A_15 = arith.constant 0 : i32
    %dma_start3A_16 = tpu.memref_slice %arg8[%dma_start3A_15] : memref<150000xi32, #tpu.memory_space<vmem_shared>> -> memref<2000xi32, #tpu.memory_space<vmem_shared>>
    tpu.enqueue_dma source(%dma_start3A_16 : memref<2000xi32, #tpu.memory_space<vmem_shared>>) target(%dma_start3A_14 : memref<2000xi32, #tpu.memory_space<vmem>>) target_semaphore(%arg10 : memref<!tpu.dma_semaphore, #tpu.memory_space<semaphore_mem>>)
    %dma_start3A_17 = arith.constant 0 : i32
    %dma_start3A_18 = tpu.memref_slice %arg7[%dma_start3A_17] : memref<4000xi32, #tpu.memory_space<vmem>> -> memref<2000xi32, #tpu.memory_space<vmem>>
    %dma_start3A_19 = arith.constant 0 : i32
    %dma_start3A_20 = tpu.memref_slice %arg9[%dma_start3A_19] : memref<150000xi32, #tpu.memory_space<vmem_shared>> -> memref<2000xi32, #tpu.memory_space<vmem_shared>>
    %dma_start3A_21 = arith.constant 0 : i32
    %dma_start3A_22 = tpu.memref_slice %arg7[%dma_start3A_21] : memref<4000xi32, #tpu.memory_space<vmem>> -> memref<2000xi32, #tpu.memory_space<vmem>>
    %dma_start3A_23 = arith.constant 0 : i32
    %dma_start3A_24 = tpu.memref_slice %arg9[%dma_start3A_23] : memref<150000xi32, #tpu.memory_space<vmem_shared>> -> memref<2000xi32, #tpu.memory_space<vmem_shared>>
    tpu.enqueue_dma source(%dma_start3A_24 : memref<2000xi32, #tpu.memory_space<vmem_shared>>) target(%dma_start3A_22 : memref<2000xi32, #tpu.memory_space<vmem>>) target_semaphore(%arg10 : memref<!tpu.dma_semaphore, #tpu.memory_space<semaphore_mem>>)
    %scan3A_25 = arith.constant 0 : i32
    %scan3A_26 = arith.constant 0 : i32
    %scan3A_27 = arith.constant 37 : i32
    %scan3A_28 = arith.addi %scan3A_26, %scan3A_27 : i32
    %scan3A_29 = arith.constant 1 : i32
    scf.for %scan3A_97 = %scan3A_26 to %scan3A_28 step %scan3A_29  : i32 {
      %mul3A_98 = arith.constant 2 : i32
      %mul3A_99 = arith.muli %scan3A_97, %mul3A_98 : i32
      %add3A_100 = arith.constant 1 : i32
      %add3A_101 = arith.addi %mul3A_99, %add3A_100 : i32
      %mul3A_102 = arith.constant 2000 : i32
      %mul3A_103 = arith.muli %add3A_101, %mul3A_102 : i32
      %dma_start3A_104 = arith.constant 2000 : i32
      %dma_start3A_105 = tpu.memref_slice %arg6[%dma_start3A_104] : memref<4000xi32, #tpu.memory_space<vmem>> -> memref<2000xi32, #tpu.memory_space<vmem>>
      %dma_start3A_106 = tpu.memref_slice %arg8[%mul3A_103] : memref<150000xi32, #tpu.memory_space<vmem_shared>> -> memref<2000xi32, #tpu.memory_space<vmem_shared>>
      %dma_start3A_107 = arith.constant 2000 : i32
      %dma_start3A_108 = tpu.memref_slice %arg6[%dma_start3A_107] : memref<4000xi32, #tpu.memory_space<vmem>> -> memref<2000xi32, #tpu.memory_space<vmem>>
      %dma_start3A_109 = tpu.memref_slice %arg8[%mul3A_103] : memref<150000xi32, #tpu.memory_space<vmem_shared>> -> memref<2000xi32, #tpu.memory_space<vmem_shared>>
      tpu.enqueue_dma source(%dma_start3A_109 : memref<2000xi32, #tpu.memory_space<vmem_shared>>) target(%dma_start3A_108 : memref<2000xi32, #tpu.memory_space<vmem>>) target_semaphore(%arg11 : memref<!tpu.dma_semaphore, #tpu.memory_space<semaphore_mem>>)
      %mul3A_110 = arith.constant 2000 : i32
      %mul3A_111 = arith.muli %add3A_101, %mul3A_110 : i32
      %dma_start3A_112 = arith.constant 2000 : i32
      %dma_start3A_113 = tpu.memref_slice %arg7[%dma_start3A_112] : memref<4000xi32, #tpu.memory_space<vmem>> -> memref<2000xi32, #tpu.memory_space<vmem>>
      %dma_start3A_114 = tpu.memref_slice %arg9[%mul3A_111] : memref<150000xi32, #tpu.memory_space<vmem_shared>> -> memref<2000xi32, #tpu.memory_space<vmem_shared>>
      %dma_start3A_115 = arith.constant 2000 : i32
      %dma_start3A_116 = tpu.memref_slice %arg7[%dma_start3A_115] : memref<4000xi32, #tpu.memory_space<vmem>> -> memref<2000xi32, #tpu.memory_space<vmem>>
      %dma_start3A_117 = tpu.memref_slice %arg9[%mul3A_111] : memref<150000xi32, #tpu.memory_space<vmem_shared>> -> memref<2000xi32, #tpu.memory_space<vmem_shared>>
      tpu.enqueue_dma source(%dma_start3A_117 : memref<2000xi32, #tpu.memory_space<vmem_shared>>) target(%dma_start3A_116 : memref<2000xi32, #tpu.memory_space<vmem>>) target_semaphore(%arg11 : memref<!tpu.dma_semaphore, #tpu.memory_space<semaphore_mem>>)
      %dma_wait3A_118 = arith.constant 0 : i32
      %dma_wait3A_119 = tpu.memref_slice %arg6[%dma_wait3A_118] : memref<4000xi32, #tpu.memory_space<vmem>> -> memref<2000xi32, #tpu.memory_space<vmem>>
      %dma_wait3A_120 = arith.constant 0 : i32
      %dma_wait3A_121 = tpu.memref_slice %arg8[%dma_wait3A_120] : memref<150000xi32, #tpu.memory_space<vmem_shared>> -> memref<2000xi32, #tpu.memory_space<vmem_shared>>
      %dma_wait3A_122 = arith.constant 0 : i32
      %dma_wait3A_123 = tpu.memref_slice %arg6[%dma_wait3A_122] : memref<4000xi32, #tpu.memory_space<vmem>> -> memref<2000xi32, #tpu.memory_space<vmem>>
      %dma_wait3A_124 = arith.constant 0 : i32
      %dma_wait3A_125 = tpu.memref_slice %arg8[%dma_wait3A_124] : memref<150000xi32, #tpu.memory_space<vmem_shared>> -> memref<2000xi32, #tpu.memory_space<vmem_shared>>
      tpu.wait_dma2 semaphore(%arg10 : memref<!tpu.dma_semaphore, #tpu.memory_space<semaphore_mem>>) src(%dma_wait3A_125 : memref<2000xi32, #tpu.memory_space<vmem_shared>>) dst(%dma_wait3A_123 : memref<2000xi32, #tpu.memory_space<vmem>>)
      %dma_wait3A_126 = arith.constant 0 : i32
      %dma_wait3A_127 = tpu.memref_slice %arg7[%dma_wait3A_126] : memref<4000xi32, #tpu.memory_space<vmem>> -> memref<2000xi32, #tpu.memory_space<vmem>>
      %dma_wait3A_128 = arith.constant 0 : i32
      %dma_wait3A_129 = tpu.memref_slice %arg9[%dma_wait3A_128] : memref<150000xi32, #tpu.memory_space<vmem_shared>> -> memref<2000xi32, #tpu.memory_space<vmem_shared>>
      %dma_wait3A_130 = arith.constant 0 : i32
      %dma_wait3A_131 = tpu.memref_slice %arg7[%dma_wait3A_130] : memref<4000xi32, #tpu.memory_space<vmem>> -> memref<2000xi32, #tpu.memory_space<vmem>>
      %dma_wait3A_132 = arith.constant 0 : i32
      %dma_wait3A_133 = tpu.memref_slice %arg9[%dma_wait3A_132] : memref<150000xi32, #tpu.memory_space<vmem_shared>> -> memref<2000xi32, #tpu.memory_space<vmem_shared>>
      tpu.wait_dma2 semaphore(%arg10 : memref<!tpu.dma_semaphore, #tpu.memory_space<semaphore_mem>>) src(%dma_wait3A_133 : memref<2000xi32, #tpu.memory_space<vmem_shared>>) dst(%dma_wait3A_131 : memref<2000xi32, #tpu.memory_space<vmem>>)
      %min3A_134 = arith.constant 0 : i32
      %min3A_135 = arith.constant 24 : i32
      %min3A_136 = arith.minsi %min3A_134, %min3A_135 : i32
      %mul3A_137 = arith.constant 80 : i32
      %mul3A_138 = arith.muli %min3A_136, %mul3A_137 : i32
      %add3A_139 = arith.constant 0 : i32
      %add3A_140 = arith.addi %add3A_139, %mul3A_138 : i32
      %add3A_141 = arith.constant 0 : i32
      %add3A_142 = arith.addi %add3A_140, %add3A_141 : i32
      %get3A_143 = arith.index_cast %add3A_142 : i32 to index
      %get3A_144 = tpu.vector_load %arg6[%get3A_143] {strides = array<i32>} : memref<4000xi32, #tpu.memory_space<vmem>>, vector<16xi32>,
      %add3A_145 = arith.constant 16 : i32
      %add3A_146 = arith.addi %add3A_140, %add3A_145 : i32
      %get3A_147 = arith.index_cast %add3A_146 : i32 to index
      %get3A_148 = tpu.vector_load %arg6[%get3A_147] {strides = array<i32>} : memref<4000xi32, #tpu.memory_space<vmem>>, vector<16xi32>,
      %add3A_149 = arith.constant 32 : i32
      %add3A_150 = arith.addi %add3A_140, %add3A_149 : i32
      %get3A_151 = arith.index_cast %add3A_150 : i32 to index
      %get3A_152 = tpu.vector_load %arg6[%get3A_151] {strides = array<i32>} : memref<4000xi32, #tpu.memory_space<vmem>>, vector<16xi32>,
      %add3A_153 = arith.constant 48 : i32
      %add3A_154 = arith.addi %add3A_140, %add3A_153 : i32
      %get3A_155 = arith.index_cast %add3A_154 : i32 to index
      %get3A_156 = tpu.vector_load %arg6[%get3A_155] {strides = array<i32>} : memref<4000xi32, #tpu.memory_space<vmem>>, vector<16xi32>,
      %add3A_157 = arith.constant 64 : i32
      %add3A_158 = arith.addi %add3A_140, %add3A_157 : i32
      %get3A_159 = arith.index_cast %add3A_158 : i32 to index
      %get3A_160 = tpu.vector_load %arg6[%get3A_159] {strides = array<i32>} : memref<4000xi32, #tpu.memory_space<vmem>>, vector<16xi32>,
      %add3A_161 = arith.constant 0 : i32
      %add3A_162 = arith.addi %add3A_140, %add3A_161 : i32
      %get3A_163 = arith.index_cast %add3A_162 : i32 to index
      %get3A_164 = tpu.vector_load %arg7[%get3A_163] {strides = array<i32>} : memref<4000xi32, #tpu.memory_space<vmem>>, vector<16xi32>,
      %add3A_165 = arith.constant 16 : i32
      %add3A_166 = arith.addi %add3A_140, %add3A_165 : i32
      %get3A_167 = arith.index_cast %add3A_166 : i32 to index
      %get3A_168 = tpu.vector_load %arg7[%get3A_167] {strides = array<i32>} : memref<4000xi32, #tpu.memory_space<vmem>>, vector<16xi32>,
      %add3A_169 = arith.constant 32 : i32
      %add3A_170 = arith.addi %add3A_140, %add3A_169 : i32
      %get3A_171 = arith.index_cast %add3A_170 : i32 to index
      %get3A_172 = tpu.vector_load %arg7[%get3A_171] {strides = array<i32>} : memref<4000xi32, #tpu.memory_space<vmem>>, vector<16xi32>,
      %add3A_173 = arith.constant 48 : i32
      %add3A_174 = arith.addi %add3A_140, %add3A_173 : i32
      %get3A_175 = arith.index_cast %add3A_174 : i32 to index
      %get3A_176 = tpu.vector_load %arg7[%get3A_175] {strides = array<i32>} : memref<4000xi32, #tpu.memory_space<vmem>>, vector<16xi32>,
      %add3A_177 = arith.constant 64 : i32
      %add3A_178 = arith.addi %add3A_140, %add3A_177 : i32
      %get3A_179 = arith.index_cast %add3A_178 : i32 to index
      %get3A_180 = tpu.vector_load %arg7[%get3A_179] {strides = array<i32>} : memref<4000xi32, #tpu.memory_space<vmem>>, vector<16xi32>,
      %scan3A_181 = arith.constant 0 : i32
      %scan3A_182 = arith.constant 25 : i32
      %scan3A_183 = arith.addi %scan3A_181, %scan3A_182 : i32
      %scan3A_184 = arith.constant 1 : i32
      %scan3A_185:10 = scf.for %scan3A_274 = %scan3A_181 to %scan3A_183 step %scan3A_184 iter_args(%scan3A_275 = %get3A_144, %scan3A_276 = %get3A_148, %scan3A_277 = %get3A_152, %scan3A_278 = %get3A_156, %scan3A_279 = %get3A_160, %scan3A_280 = %get3A_164, %scan3A_281 = %get3A_168, %scan3A_282 = %get3A_172, %scan3A_283 = %get3A_176, %scan3A_284 = %get3A_180) -> (vector<16xi32>, vector<16xi32>, vector<16xi32>, vector<16xi32>, vector<16xi32>, vector<16xi32>, vector<16xi32>, vector<16xi32>, vector<16xi32>, vector<16xi32>)  : i32 {
        %add3A_285 = arith.constant 1 : i32
        %add3A_286 = arith.addi %scan3A_274, %add3A_285 : i32
        %min3A_287 = arith.constant 24 : i32
        %min3A_288 = arith.minsi %add3A_286, %min3A_287 : i32
        %mul3A_289 = arith.constant 80 : i32
        %mul3A_290 = arith.muli %min3A_288, %mul3A_289 : i32
        %add3A_291 = arith.constant 0 : i32
        %add3A_292 = arith.addi %add3A_291, %mul3A_290 : i32
        %add3A_293 = arith.constant 0 : i32
        %add3A_294 = arith.addi %add3A_292, %add3A_293 : i32
        %get3A_295 = arith.index_cast %add3A_294 : i32 to index
        %get3A_296 = tpu.vector_load %arg6[%get3A_295] {strides = array<i32>} : memref<4000xi32, #tpu.memory_space<vmem>>, vector<16xi32>,
        %add3A_297 = arith.constant 16 : i32
        %add3A_298 = arith.addi %add3A_292, %add3A_297 : i32
        %get3A_299 = arith.index_cast %add3A_298 : i32 to index
        %get3A_300 = tpu.vector_load %arg6[%get3A_299] {strides = array<i32>} : memref<4000xi32, #tpu.memory_space<vmem>>, vector<16xi32>,
        %add3A_301 = arith.constant 32 : i32
        %add3A_302 = arith.addi %add3A_292, %add3A_301 : i32
        %get3A_303 = arith.index_cast %add3A_302 : i32 to index
        %get3A_304 = tpu.vector_load %arg6[%get3A_303] {strides = array<i32>} : memref<4000xi32, #tpu.memory_space<vmem>>, vector<16xi32>,
        %add3A_305 = arith.constant 48 : i32
        %add3A_306 = arith.addi %add3A_292, %add3A_305 : i32
        %get3A_307 = arith.index_cast %add3A_306 : i32 to index
        %get3A_308 = tpu.vector_load %arg6[%get3A_307] {strides = array<i32>} : memref<4000xi32, #tpu.memory_space<vmem>>, vector<16xi32>,
        %add3A_309 = arith.constant 64 : i32
        %add3A_310 = arith.addi %add3A_292, %add3A_309 : i32
        %get3A_311 = arith.index_cast %add3A_310 : i32 to index
        %get3A_312 = tpu.vector_load %arg6[%get3A_311] {strides = array<i32>} : memref<4000xi32, #tpu.memory_space<vmem>>, vector<16xi32>,
        %add3A_313 = arith.constant 0 : i32
        %add3A_314 = arith.addi %add3A_292, %add3A_313 : i32
        %get3A_315 = arith.index_cast %add3A_314 : i32 to index
        %get3A_316 = tpu.vector_load %arg7[%get3A_315] {strides = array<i32>} : memref<4000xi32, #tpu.memory_space<vmem>>, vector<16xi32>,
        %add3A_317 = arith.constant 16 : i32
        %add3A_318 = arith.addi %add3A_292, %add3A_317 : i32
        %get3A_319 = arith.index_cast %add3A_318 : i32 to index
        %get3A_320 = tpu.vector_load %arg7[%get3A_319] {strides = array<i32>} : memref<4000xi32, #tpu.memory_space<vmem>>, vector<16xi32>,
        %add3A_321 = arith.constant 32 : i32
        %add3A_322 = arith.addi %add3A_292, %add3A_321 : i32
        %get3A_323 = arith.index_cast %add3A_322 : i32 to index
        %get3A_324 = tpu.vector_load %arg7[%get3A_323] {strides = array<i32>} : memref<4000xi32, #tpu.memory_space<vmem>>, vector<16xi32>,
        %add3A_325 = arith.constant 48 : i32
        %add3A_326 = arith.addi %add3A_292, %add3A_325 : i32
        %get3A_327 = arith.index_cast %add3A_326 : i32 to index
        %get3A_328 = tpu.vector_load %arg7[%get3A_327] {strides = array<i32>} : memref<4000xi32, #tpu.memory_space<vmem>>, vector<16xi32>,
        %add3A_329 = arith.constant 64 : i32
        %add3A_330 = arith.addi %add3A_292, %add3A_329 : i32
        %get3A_331 = arith.index_cast %add3A_330 : i32 to index
        %get3A_332 = tpu.vector_load %arg7[%get3A_331] {strides = array<i32>} : memref<4000xi32, #tpu.memory_space<vmem>>, vector<16xi32>,
        %sub3A = vector.broadcast %mul3A_2 : i32 to vector<16xi32>
        %sub3A_333 = arith.subi %scan3A_275, %sub3A : vector<16xi32>
        %bitcast3A = vector.bitcast %sub3A_333 : vector<16xi32> to vector<16xi32>
        %lt3A = arith.constant 5000 : i32
        %lt3A_334 = vector.broadcast %lt3A : i32 to vector<16xi32>
        %lt3A_335 = arith.cmpi ult, %bitcast3A, %lt3A_334 : vector<16xi32>
        tpu.vector_store_idx %arg5[%sub3A_333], %scan3A_280 masked %lt3A_335 : memref<5008xi32, #tpu.memory_space<vmem>>[vector<16xi32>], vector<16xi32>, vector<16xi1>
        %sub3A_336 = vector.broadcast %mul3A_2 : i32 to vector<16xi32>
        %sub3A_337 = arith.subi %scan3A_276, %sub3A_336 : vector<16xi32>
        %bitcast3A_338 = vector.bitcast %sub3A_337 : vector<16xi32> to vector<16xi32>
        %lt3A_339 = arith.constant 5000 : i32
        %lt3A_340 = vector.broadcast %lt3A_339 : i32 to vector<16xi32>
        %lt3A_341 = arith.cmpi ult, %bitcast3A_338, %lt3A_340 : vector<16xi32>
        tpu.vector_store_idx %arg5[%sub3A_337], %scan3A_281 masked %lt3A_341 : memref<5008xi32, #tpu.memory_space<vmem>>[vector<16xi32>], vector<16xi32>, vector<16xi1>
        %sub3A_342 = vector.broadcast %mul3A_2 : i32 to vector<16xi32>
        %sub3A_343 = arith.subi %scan3A_277, %sub3A_342 : vector<16xi32>
        %bitcast3A_344 = vector.bitcast %sub3A_343 : vector<16xi32> to vector<16xi32>
        %lt3A_345 = arith.constant 5000 : i32
        %lt3A_346 = vector.broadcast %lt3A_345 : i32 to vector<16xi32>
        %lt3A_347 = arith.cmpi ult, %bitcast3A_344, %lt3A_346 : vector<16xi32>
        tpu.vector_store_idx %arg5[%sub3A_343], %scan3A_282 masked %lt3A_347 : memref<5008xi32, #tpu.memory_space<vmem>>[vector<16xi32>], vector<16xi32>, vector<16xi1>
        %sub3A_348 = vector.broadcast %mul3A_2 : i32 to vector<16xi32>
        %sub3A_349 = arith.subi %scan3A_278, %sub3A_348 : vector<16xi32>
        %bitcast3A_350 = vector.bitcast %sub3A_349 : vector<16xi32> to vector<16xi32>
        %lt3A_351 = arith.constant 5000 : i32
        %lt3A_352 = vector.broadcast %lt3A_351 : i32 to vector<16xi32>
        %lt3A_353 = arith.cmpi ult, %bitcast3A_350, %lt3A_352 : vector<16xi32>
        tpu.vector_store_idx %arg5[%sub3A_349], %scan3A_283 masked %lt3A_353 : memref<5008xi32, #tpu.memory_space<vmem>>[vector<16xi32>], vector<16xi32>, vector<16xi1>
        %sub3A_354 = vector.broadcast %mul3A_2 : i32 to vector<16xi32>
        %sub3A_355 = arith.subi %scan3A_279, %sub3A_354 : vector<16xi32>
        %bitcast3A_356 = vector.bitcast %sub3A_355 : vector<16xi32> to vector<16xi32>
        %lt3A_357 = arith.constant 5000 : i32
        %lt3A_358 = vector.broadcast %lt3A_357 : i32 to vector<16xi32>
        %lt3A_359 = arith.cmpi ult, %bitcast3A_356, %lt3A_358 : vector<16xi32>
        tpu.vector_store_idx %arg5[%sub3A_355], %scan3A_284 masked %lt3A_359 : memref<5008xi32, #tpu.memory_space<vmem>>[vector<16xi32>], vector<16xi32>, vector<16xi1>
        scf.yield %get3A_296, %get3A_300, %get3A_304, %get3A_308, %get3A_312, %get3A_316, %get3A_320, %get3A_324, %get3A_328, %get3A_332 : vector<16xi32>, vector<16xi32>, vector<16xi32>, vector<16xi32>, vector<16xi32>, vector<16xi32>, vector<16xi32>, vector<16xi32>, vector<16xi32>, vector<16xi32>
      }
      %scan3A_186 = arith.constant 25 : i32
      %add3A_187 = arith.constant 2 : i32
      %add3A_188 = arith.addi %mul3A_99, %add3A_187 : i32
      %mul3A_189 = arith.constant 2000 : i32
      %mul3A_190 = arith.muli %add3A_188, %mul3A_189 : i32
      %dma_start3A_191 = arith.constant 0 : i32
      %dma_start3A_192 = tpu.memref_slice %arg6[%dma_start3A_191] : memref<4000xi32, #tpu.memory_space<vmem>> -> memref<2000xi32, #tpu.memory_space<vmem>>
      %dma_start3A_193 = tpu.memref_slice %arg8[%mul3A_190] : memref<150000xi32, #tpu.memory_space<vmem_shared>> -> memref<2000xi32, #tpu.memory_space<vmem_shared>>
      %dma_start3A_194 = arith.constant 0 : i32
      %dma_start3A_195 = tpu.memref_slice %arg6[%dma_start3A_194] : memref<4000xi32, #tpu.memory_space<vmem>> -> memref<2000xi32, #tpu.memory_space<vmem>>
      %dma_start3A_196 = tpu.memref_slice %arg8[%mul3A_190] : memref<150000xi32, #tpu.memory_space<vmem_shared>> -> memref<2000xi32, #tpu.memory_space<vmem_shared>>
      tpu.enqueue_dma source(%dma_start3A_196 : memref<2000xi32, #tpu.memory_space<vmem_shared>>) target(%dma_start3A_195 : memref<2000xi32, #tpu.memory_space<vmem>>) target_semaphore(%arg10 : memref<!tpu.dma_semaphore, #tpu.memory_space<semaphore_mem>>)
      %mul3A_197 = arith.constant 2000 : i32
      %mul3A_198 = arith.muli %add3A_188, %mul3A_197 : i32
      %dma_start3A_199 = arith.constant 0 : i32
      %dma_start3A_200 = tpu.memref_slice %arg7[%dma_start3A_199] : memref<4000xi32, #tpu.memory_space<vmem>> -> memref<2000xi32, #tpu.memory_space<vmem>>
      %dma_start3A_201 = tpu.memref_slice %arg9[%mul3A_198] : memref<150000xi32, #tpu.memory_space<vmem_shared>> -> memref<2000xi32, #tpu.memory_space<vmem_shared>>
      %dma_start3A_202 = arith.constant 0 : i32
      %dma_start3A_203 = tpu.memref_slice %arg7[%dma_start3A_202] : memref<4000xi32, #tpu.memory_space<vmem>> -> memref<2000xi32, #tpu.memory_space<vmem>>
      %dma_start3A_204 = tpu.memref_slice %arg9[%mul3A_198] : memref<150000xi32, #tpu.memory_space<vmem_shared>> -> memref<2000xi32, #tpu.memory_space<vmem_shared>>
      tpu.enqueue_dma source(%dma_start3A_204 : memref<2000xi32, #tpu.memory_space<vmem_shared>>) target(%dma_start3A_203 : memref<2000xi32, #tpu.memory_space<vmem>>) target_semaphore(%arg10 : memref<!tpu.dma_semaphore, #tpu.memory_space<semaphore_mem>>)
      %dma_wait3A_205 = arith.constant 2000 : i32
      %dma_wait3A_206 = tpu.memref_slice %arg6[%dma_wait3A_205] : memref<4000xi32, #tpu.memory_space<vmem>> -> memref<2000xi32, #tpu.memory_space<vmem>>
      %dma_wait3A_207 = arith.constant 0 : i32
      %dma_wait3A_208 = tpu.memref_slice %arg8[%dma_wait3A_207] : memref<150000xi32, #tpu.memory_space<vmem_shared>> -> memref<2000xi32, #tpu.memory_space<vmem_shared>>
      %dma_wait3A_209 = arith.constant 2000 : i32
      %dma_wait3A_210 = tpu.memref_slice %arg6[%dma_wait3A_209] : memref<4000xi32, #tpu.memory_space<vmem>> -> memref<2000xi32, #tpu.memory_space<vmem>>
      %dma_wait3A_211 = arith.constant 0 : i32
      %dma_wait3A_212 = tpu.memref_slice %arg8[%dma_wait3A_211] : memref<150000xi32, #tpu.memory_space<vmem_shared>> -> memref<2000xi32, #tpu.memory_space<vmem_shared>>
      tpu.wait_dma2 semaphore(%arg11 : memref<!tpu.dma_semaphore, #tpu.memory_space<semaphore_mem>>) src(%dma_wait3A_212 : memref<2000xi32, #tpu.memory_space<vmem_shared>>) dst(%dma_wait3A_210 : memref<2000xi32, #tpu.memory_space<vmem>>)
      %dma_wait3A_213 = arith.constant 2000 : i32
      %dma_wait3A_214 = tpu.memref_slice %arg7[%dma_wait3A_213] : memref<4000xi32, #tpu.memory_space<vmem>> -> memref<2000xi32, #tpu.memory_space<vmem>>
      %dma_wait3A_215 = arith.constant 0 : i32
      %dma_wait3A_216 = tpu.memref_slice %arg9[%dma_wait3A_215] : memref<150000xi32, #tpu.memory_space<vmem_shared>> -> memref<2000xi32, #tpu.memory_space<vmem_shared>>
      %dma_wait3A_217 = arith.constant 2000 : i32
      %dma_wait3A_218 = tpu.memref_slice %arg7[%dma_wait3A_217] : memref<4000xi32, #tpu.memory_space<vmem>> -> memref<2000xi32, #tpu.memory_space<vmem>>
      %dma_wait3A_219 = arith.constant 0 : i32
      %dma_wait3A_220 = tpu.memref_slice %arg9[%dma_wait3A_219] : memref<150000xi32, #tpu.memory_space<vmem_shared>> -> memref<2000xi32, #tpu.memory_space<vmem_shared>>
      tpu.wait_dma2 semaphore(%arg11 : memref<!tpu.dma_semaphore, #tpu.memory_space<semaphore_mem>>) src(%dma_wait3A_220 : memref<2000xi32, #tpu.memory_space<vmem_shared>>) dst(%dma_wait3A_218 : memref<2000xi32, #tpu.memory_space<vmem>>)
      %min3A_221 = arith.constant 0 : i32
      %min3A_222 = arith.constant 24 : i32
      %min3A_223 = arith.minsi %min3A_221, %min3A_222 : i32
      %mul3A_224 = arith.constant 80 : i32
      %mul3A_225 = arith.muli %min3A_223, %mul3A_224 : i32
      %add3A_226 = arith.constant 2000 : i32
      %add3A_227 = arith.addi %add3A_226, %mul3A_225 : i32
      %add3A_228 = arith.constant 0 : i32
      %add3A_229 = arith.addi %add3A_227, %add3A_228 : i32
      %get3A_230 = arith.index_cast %add3A_229 : i32 to index
      %get3A_231 = tpu.vector_load %arg6[%get3A_230] {strides = array<i32>} : memref<4000xi32, #tpu.memory_space<vmem>>, vector<16xi32>,
      %add3A_232 = arith.constant 16 : i32
      %add3A_233 = arith.addi %add3A_227, %add3A_232 : i32
      %get3A_234 = arith.index_cast %add3A_233 : i32 to index
      %get3A_235 = tpu.vector_load %arg6[%get3A_234] {strides = array<i32>} : memref<4000xi32, #tpu.memory_space<vmem>>, vector<16xi32>,
      %add3A_236 = arith.constant 32 : i32
      %add3A_237 = arith.addi %add3A_227, %add3A_236 : i32
      %get3A_238 = arith.index_cast %add3A_237 : i32 to index
      %get3A_239 = tpu.vector_load %arg6[%get3A_238] {strides = array<i32>} : memref<4000xi32, #tpu.memory_space<vmem>>, vector<16xi32>,
      %add3A_240 = arith.constant 48 : i32
      %add3A_241 = arith.addi %add3A_227, %add3A_240 : i32
      %get3A_242 = arith.index_cast %add3A_241 : i32 to index
      %get3A_243 = tpu.vector_load %arg6[%get3A_242] {strides = array<i32>} : memref<4000xi32, #tpu.memory_space<vmem>>, vector<16xi32>,
      %add3A_244 = arith.constant 64 : i32
      %add3A_245 = arith.addi %add3A_227, %add3A_244 : i32
      %get3A_246 = arith.index_cast %add3A_245 : i32 to index
      %get3A_247 = tpu.vector_load %arg6[%get3A_246] {strides = array<i32>} : memref<4000xi32, #tpu.memory_space<vmem>>, vector<16xi32>,
      %add3A_248 = arith.constant 0 : i32
      %add3A_249 = arith.addi %add3A_227, %add3A_248 : i32
      %get3A_250 = arith.index_cast %add3A_249 : i32 to index
      %get3A_251 = tpu.vector_load %arg7[%get3A_250] {strides = array<i32>} : memref<4000xi32, #tpu.memory_space<vmem>>, vector<16xi32>,
      %add3A_252 = arith.constant 16 : i32
      %add3A_253 = arith.addi %add3A_227, %add3A_252 : i32
      %get3A_254 = arith.index_cast %add3A_253 : i32 to index
      %get3A_255 = tpu.vector_load %arg7[%get3A_254] {strides = array<i32>} : memref<4000xi32, #tpu.memory_space<vmem>>, vector<16xi32>,
      %add3A_256 = arith.constant 32 : i32
      %add3A_257 = arith.addi %add3A_227, %add3A_256 : i32
      %get3A_258 = arith.index_cast %add3A_257 : i32 to index
      %get3A_259 = tpu.vector_load %arg7[%get3A_258] {strides = array<i32>} : memref<4000xi32, #tpu.memory_space<vmem>>, vector<16xi32>,
      %add3A_260 = arith.constant 48 : i32
      %add3A_261 = arith.addi %add3A_227, %add3A_260 : i32
      %get3A_262 = arith.index_cast %add3A_261 : i32 to index
      %get3A_263 = tpu.vector_load %arg7[%get3A_262] {strides = array<i32>} : memref<4000xi32, #tpu.memory_space<vmem>>, vector<16xi32>,
      %add3A_264 = arith.constant 64 : i32
      %add3A_265 = arith.addi %add3A_227, %add3A_264 : i32
      %get3A_266 = arith.index_cast %add3A_265 : i32 to index
      %get3A_267 = tpu.vector_load %arg7[%get3A_266] {strides = array<i32>} : memref<4000xi32, #tpu.memory_space<vmem>>, vector<16xi32>,
      %scan3A_268 = arith.constant 0 : i32
      %scan3A_269 = arith.constant 25 : i32
      %scan3A_270 = arith.addi %scan3A_268, %scan3A_269 : i32
      %scan3A_271 = arith.constant 1 : i32
      %scan3A_272:10 = scf.for %scan3A_274 = %scan3A_268 to %scan3A_270 step %scan3A_271 iter_args(%scan3A_275 = %get3A_231, %scan3A_276 = %get3A_235, %scan3A_277 = %get3A_239, %scan3A_278 = %get3A_243, %scan3A_279 = %get3A_247, %scan3A_280 = %get3A_251, %scan3A_281 = %get3A_255, %scan3A_282 = %get3A_259, %scan3A_283 = %get3A_263, %scan3A_284 = %get3A_267) -> (vector<16xi32>, vector<16xi32>, vector<16xi32>, vector<16xi32>, vector<16xi32>, vector<16xi32>, vector<16xi32>, vector<16xi32>, vector<16xi32>, vector<16xi32>)  : i32 {
        %add3A_285 = arith.constant 1 : i32
        %add3A_286 = arith.addi %scan3A_274, %add3A_285 : i32
        %min3A_287 = arith.constant 24 : i32
        %min3A_288 = arith.minsi %add3A_286, %min3A_287 : i32
        %mul3A_289 = arith.constant 80 : i32
        %mul3A_290 = arith.muli %min3A_288, %mul3A_289 : i32
        %add3A_291 = arith.constant 2000 : i32
        %add3A_292 = arith.addi %add3A_291, %mul3A_290 : i32
        %add3A_293 = arith.constant 0 : i32
        %add3A_294 = arith.addi %add3A_292, %add3A_293 : i32
        %get3A_295 = arith.index_cast %add3A_294 : i32 to index
        %get3A_296 = tpu.vector_load %arg6[%get3A_295] {strides = array<i32>} : memref<4000xi32, #tpu.memory_space<vmem>>, vector<16xi32>,
        %add3A_297 = arith.constant 16 : i32
        %add3A_298 = arith.addi %add3A_292, %add3A_297 : i32
        %get3A_299 = arith.index_cast %add3A_298 : i32 to index
        %get3A_300 = tpu.vector_load %arg6[%get3A_299] {strides = array<i32>} : memref<4000xi32, #tpu.memory_space<vmem>>, vector<16xi32>,
        %add3A_301 = arith.constant 32 : i32
        %add3A_302 = arith.addi %add3A_292, %add3A_301 : i32
        %get3A_303 = arith.index_cast %add3A_302 : i32 to index
        %get3A_304 = tpu.vector_load %arg6[%get3A_303] {strides = array<i32>} : memref<4000xi32, #tpu.memory_space<vmem>>, vector<16xi32>,
        %add3A_305 = arith.constant 48 : i32
        %add3A_306 = arith.addi %add3A_292, %add3A_305 : i32
        %get3A_307 = arith.index_cast %add3A_306 : i32 to index
        %get3A_308 = tpu.vector_load %arg6[%get3A_307] {strides = array<i32>} : memref<4000xi32, #tpu.memory_space<vmem>>, vector<16xi32>,
        %add3A_309 = arith.constant 64 : i32
        %add3A_310 = arith.addi %add3A_292, %add3A_309 : i32
        %get3A_311 = arith.index_cast %add3A_310 : i32 to index
        %get3A_312 = tpu.vector_load %arg6[%get3A_311] {strides = array<i32>} : memref<4000xi32, #tpu.memory_space<vmem>>, vector<16xi32>,
        %add3A_313 = arith.constant 0 : i32
        %add3A_314 = arith.addi %add3A_292, %add3A_313 : i32
        %get3A_315 = arith.index_cast %add3A_314 : i32 to index
        %get3A_316 = tpu.vector_load %arg7[%get3A_315] {strides = array<i32>} : memref<4000xi32, #tpu.memory_space<vmem>>, vector<16xi32>,
        %add3A_317 = arith.constant 16 : i32
        %add3A_318 = arith.addi %add3A_292, %add3A_317 : i32
        %get3A_319 = arith.index_cast %add3A_318 : i32 to index
        %get3A_320 = tpu.vector_load %arg7[%get3A_319] {strides = array<i32>} : memref<4000xi32, #tpu.memory_space<vmem>>, vector<16xi32>,
        %add3A_321 = arith.constant 32 : i32
        %add3A_322 = arith.addi %add3A_292, %add3A_321 : i32
        %get3A_323 = arith.index_cast %add3A_322 : i32 to index
        %get3A_324 = tpu.vector_load %arg7[%get3A_323] {strides = array<i32>} : memref<4000xi32, #tpu.memory_space<vmem>>, vector<16xi32>,
        %add3A_325 = arith.constant 48 : i32
        %add3A_326 = arith.addi %add3A_292, %add3A_325 : i32
        %get3A_327 = arith.index_cast %add3A_326 : i32 to index
        %get3A_328 = tpu.vector_load %arg7[%get3A_327] {strides = array<i32>} : memref<4000xi32, #tpu.memory_space<vmem>>, vector<16xi32>,
        %add3A_329 = arith.constant 64 : i32
        %add3A_330 = arith.addi %add3A_292, %add3A_329 : i32
        %get3A_331 = arith.index_cast %add3A_330 : i32 to index
        %get3A_332 = tpu.vector_load %arg7[%get3A_331] {strides = array<i32>} : memref<4000xi32, #tpu.memory_space<vmem>>, vector<16xi32>,
        %sub3A = vector.broadcast %mul3A_2 : i32 to vector<16xi32>
        %sub3A_333 = arith.subi %scan3A_275, %sub3A : vector<16xi32>
        %bitcast3A = vector.bitcast %sub3A_333 : vector<16xi32> to vector<16xi32>
        %lt3A = arith.constant 5000 : i32
        %lt3A_334 = vector.broadcast %lt3A : i32 to vector<16xi32>
        %lt3A_335 = arith.cmpi ult, %bitcast3A, %lt3A_334 : vector<16xi32>
        tpu.vector_store_idx %arg5[%sub3A_333], %scan3A_280 masked %lt3A_335 : memref<5008xi32, #tpu.memory_space<vmem>>[vector<16xi32>], vector<16xi32>, vector<16xi1>
        %sub3A_336 = vector.broadcast %mul3A_2 : i32 to vector<16xi32>
        %sub3A_337 = arith.subi %scan3A_276, %sub3A_336 : vector<16xi32>
        %bitcast3A_338 = vector.bitcast %sub3A_337 : vector<16xi32> to vector<16xi32>
        %lt3A_339 = arith.constant 5000 : i32
        %lt3A_340 = vector.broadcast %lt3A_339 : i32 to vector<16xi32>
        %lt3A_341 = arith.cmpi ult, %bitcast3A_338, %lt3A_340 : vector<16xi32>
        tpu.vector_store_idx %arg5[%sub3A_337], %scan3A_281 masked %lt3A_341 : memref<5008xi32, #tpu.memory_space<vmem>>[vector<16xi32>], vector<16xi32>, vector<16xi1>
        %sub3A_342 = vector.broadcast %mul3A_2 : i32 to vector<16xi32>
        %sub3A_343 = arith.subi %scan3A_277, %sub3A_342 : vector<16xi32>
        %bitcast3A_344 = vector.bitcast %sub3A_343 : vector<16xi32> to vector<16xi32>
        %lt3A_345 = arith.constant 5000 : i32
        %lt3A_346 = vector.broadcast %lt3A_345 : i32 to vector<16xi32>
        %lt3A_347 = arith.cmpi ult, %bitcast3A_344, %lt3A_346 : vector<16xi32>
        tpu.vector_store_idx %arg5[%sub3A_343], %scan3A_282 masked %lt3A_347 : memref<5008xi32, #tpu.memory_space<vmem>>[vector<16xi32>], vector<16xi32>, vector<16xi1>
        %sub3A_348 = vector.broadcast %mul3A_2 : i32 to vector<16xi32>
        %sub3A_349 = arith.subi %scan3A_278, %sub3A_348 : vector<16xi32>
        %bitcast3A_350 = vector.bitcast %sub3A_349 : vector<16xi32> to vector<16xi32>
        %lt3A_351 = arith.constant 5000 : i32
        %lt3A_352 = vector.broadcast %lt3A_351 : i32 to vector<16xi32>
        %lt3A_353 = arith.cmpi ult, %bitcast3A_350, %lt3A_352 : vector<16xi32>
        tpu.vector_store_idx %arg5[%sub3A_349], %scan3A_283 masked %lt3A_353 : memref<5008xi32, #tpu.memory_space<vmem>>[vector<16xi32>], vector<16xi32>, vector<16xi1>
        %sub3A_354 = vector.broadcast %mul3A_2 : i32 to vector<16xi32>
        %sub3A_355 = arith.subi %scan3A_279, %sub3A_354 : vector<16xi32>
        %bitcast3A_356 = vector.bitcast %sub3A_355 : vector<16xi32> to vector<16xi32>
        %lt3A_357 = arith.constant 5000 : i32
        %lt3A_358 = vector.broadcast %lt3A_357 : i32 to vector<16xi32>
        %lt3A_359 = arith.cmpi ult, %bitcast3A_356, %lt3A_358 : vector<16xi32>
        tpu.vector_store_idx %arg5[%sub3A_355], %scan3A_284 masked %lt3A_359 : memref<5008xi32, #tpu.memory_space<vmem>>[vector<16xi32>], vector<16xi32>, vector<16xi1>
        scf.yield %get3A_296, %get3A_300, %get3A_304, %get3A_308, %get3A_312, %get3A_316, %get3A_320, %get3A_324, %get3A_328, %get3A_332 : vector<16xi32>, vector<16xi32>, vector<16xi32>, vector<16xi32>, vector<16xi32>, vector<16xi32>, vector<16xi32>, vector<16xi32>, vector<16xi32>, vector<16xi32>
      }
      %scan3A_273 = arith.constant 25 : i32
    }
    %scan3A_30 = arith.constant 37 : i32
    %dma_wait3A = arith.constant 0 : i32
    %dma_wait3A_31 = tpu.memref_slice %arg6[%dma_wait3A] : memref<4000xi32, #tpu.memory_space<vmem>> -> memref<2000xi32, #tpu.memory_space<vmem>>
    %dma_wait3A_32 = arith.constant 0 : i32
    %dma_wait3A_33 = tpu.memref_slice %arg8[%dma_wait3A_32] : memref<150000xi32, #tpu.memory_space<vmem_shared>> -> memref<2000xi32, #tpu.memory_space<vmem_shared>>
    %dma_wait3A_34 = arith.constant 0 : i32
    %dma_wait3A_35 = tpu.memref_slice %arg6[%dma_wait3A_34] : memref<4000xi32, #tpu.memory_space<vmem>> -> memref<2000xi32, #tpu.memory_space<vmem>>
    %dma_wait3A_36 = arith.constant 0 : i32
    %dma_wait3A_37 = tpu.memref_slice %arg8[%dma_wait3A_36] : memref<150000xi32, #tpu.memory_space<vmem_shared>> -> memref<2000xi32, #tpu.memory_space<vmem_shared>>
    tpu.wait_dma2 semaphore(%arg10 : memref<!tpu.dma_semaphore, #tpu.memory_space<semaphore_mem>>) src(%dma_wait3A_37 : memref<2000xi32, #tpu.memory_space<vmem_shared>>) dst(%dma_wait3A_35 : memref<2000xi32, #tpu.memory_space<vmem>>)
    %dma_wait3A_38 = arith.constant 0 : i32
    %dma_wait3A_39 = tpu.memref_slice %arg7[%dma_wait3A_38] : memref<4000xi32, #tpu.memory_space<vmem>> -> memref<2000xi32, #tpu.memory_space<vmem>>
    %dma_wait3A_40 = arith.constant 0 : i32
    %dma_wait3A_41 = tpu.memref_slice %arg9[%dma_wait3A_40] : memref<150000xi32, #tpu.memory_space<vmem_shared>> -> memref<2000xi32, #tpu.memory_space<vmem_shared>>
    %dma_wait3A_42 = arith.constant 0 : i32
    %dma_wait3A_43 = tpu.memref_slice %arg7[%dma_wait3A_42] : memref<4000xi32, #tpu.memory_space<vmem>> -> memref<2000xi32, #tpu.memory_space<vmem>>
    %dma_wait3A_44 = arith.constant 0 : i32
    %dma_wait3A_45 = tpu.memref_slice %arg9[%dma_wait3A_44] : memref<150000xi32, #tpu.memory_space<vmem_shared>> -> memref<2000xi32, #tpu.memory_space<vmem_shared>>
    tpu.wait_dma2 semaphore(%arg10 : memref<!tpu.dma_semaphore, #tpu.memory_space<semaphore_mem>>) src(%dma_wait3A_45 : memref<2000xi32, #tpu.memory_space<vmem_shared>>) dst(%dma_wait3A_43 : memref<2000xi32, #tpu.memory_space<vmem>>)
    %min3A = arith.constant 0 : i32
    %min3A_46 = arith.constant 24 : i32
    %min3A_47 = arith.minsi %min3A, %min3A_46 : i32
    %mul3A_48 = arith.constant 80 : i32
    %mul3A_49 = arith.muli %min3A_47, %mul3A_48 : i32
    %add3A_50 = arith.constant 0 : i32
    %add3A_51 = arith.addi %add3A_50, %mul3A_49 : i32
    %add3A_52 = arith.constant 0 : i32
    %add3A_53 = arith.addi %add3A_51, %add3A_52 : i32
    %get3A = arith.index_cast %add3A_53 : i32 to index
    %get3A_54 = tpu.vector_load %arg6[%get3A] {strides = array<i32>} : memref<4000xi32, #tpu.memory_space<vmem>>, vector<16xi32>,
    %add3A_55 = arith.constant 16 : i32
    %add3A_56 = arith.addi %add3A_51, %add3A_55 : i32
    %get3A_57 = arith.index_cast %add3A_56 : i32 to index
    %get3A_58 = tpu.vector_load %arg6[%get3A_57] {strides = array<i32>} : memref<4000xi32, #tpu.memory_space<vmem>>, vector<16xi32>,
    %add3A_59 = arith.constant 32 : i32
    %add3A_60 = arith.addi %add3A_51, %add3A_59 : i32
    %get3A_61 = arith.index_cast %add3A_60 : i32 to index
    %get3A_62 = tpu.vector_load %arg6[%get3A_61] {strides = array<i32>} : memref<4000xi32, #tpu.memory_space<vmem>>, vector<16xi32>,
    %add3A_63 = arith.constant 48 : i32
    %add3A_64 = arith.addi %add3A_51, %add3A_63 : i32
    %get3A_65 = arith.index_cast %add3A_64 : i32 to index
    %get3A_66 = tpu.vector_load %arg6[%get3A_65] {strides = array<i32>} : memref<4000xi32, #tpu.memory_space<vmem>>, vector<16xi32>,
    %add3A_67 = arith.constant 64 : i32
    %add3A_68 = arith.addi %add3A_51, %add3A_67 : i32
    %get3A_69 = arith.index_cast %add3A_68 : i32 to index
    %get3A_70 = tpu.vector_load %arg6[%get3A_69] {strides = array<i32>} : memref<4000xi32, #tpu.memory_space<vmem>>, vector<16xi32>,
    %add3A_71 = arith.constant 0 : i32
    %add3A_72 = arith.addi %add3A_51, %add3A_71 : i32
    %get3A_73 = arith.index_cast %add3A_72 : i32 to index
    %get3A_74 = tpu.vector_load %arg7[%get3A_73] {strides = array<i32>} : memref<4000xi32, #tpu.memory_space<vmem>>, vector<16xi32>,
    %add3A_75 = arith.constant 16 : i32
    %add3A_76 = arith.addi %add3A_51, %add3A_75 : i32
    %get3A_77 = arith.index_cast %add3A_76 : i32 to index
    %get3A_78 = tpu.vector_load %arg7[%get3A_77] {strides = array<i32>} : memref<4000xi32, #tpu.memory_space<vmem>>, vector<16xi32>,
    %add3A_79 = arith.constant 32 : i32
    %add3A_80 = arith.addi %add3A_51, %add3A_79 : i32
    %get3A_81 = arith.index_cast %add3A_80 : i32 to index
    %get3A_82 = tpu.vector_load %arg7[%get3A_81] {strides = array<i32>} : memref<4000xi32, #tpu.memory_space<vmem>>, vector<16xi32>,
    %add3A_83 = arith.constant 48 : i32
    %add3A_84 = arith.addi %add3A_51, %add3A_83 : i32
    %get3A_85 = arith.index_cast %add3A_84 : i32 to index
    %get3A_86 = tpu.vector_load %arg7[%get3A_85] {strides = array<i32>} : memref<4000xi32, #tpu.memory_space<vmem>>, vector<16xi32>,
    %add3A_87 = arith.constant 64 : i32
    %add3A_88 = arith.addi %add3A_51, %add3A_87 : i32
    %get3A_89 = arith.index_cast %add3A_88 : i32 to index
    %get3A_90 = tpu.vector_load %arg7[%get3A_89] {strides = array<i32>} : memref<4000xi32, #tpu.memory_space<vmem>>, vector<16xi32>,
    %scan3A_91 = arith.constant 0 : i32
    %scan3A_92 = arith.constant 25 : i32
    %scan3A_93 = arith.addi %scan3A_91, %scan3A_92 : i32
    %scan3A_94 = arith.constant 1 : i32
    %scan3A_95:10 = scf.for %scan3A_97 = %scan3A_91 to %scan3A_93 step %scan3A_94 iter_args(%scan3A_98 = %get3A_54, %scan3A_99 = %get3A_58, %scan3A_100 = %get3A_62, %scan3A_101 = %get3A_66, %scan3A_102 = %get3A_70, %scan3A_103 = %get3A_74, %scan3A_104 = %get3A_78, %scan3A_105 = %get3A_82, %scan3A_106 = %get3A_86, %scan3A_107 = %get3A_90) -> (vector<16xi32>, vector<16xi32>, vector<16xi32>, vector<16xi32>, vector<16xi32>, vector<16xi32>, vector<16xi32>, vector<16xi32>, vector<16xi32>, vector<16xi32>)  : i32 {
      %add3A_108 = arith.constant 1 : i32
      %add3A_109 = arith.addi %scan3A_97, %add3A_108 : i32
      %min3A_110 = arith.constant 24 : i32
      %min3A_111 = arith.minsi %add3A_109, %min3A_110 : i32
      %mul3A_112 = arith.constant 80 : i32
      %mul3A_113 = arith.muli %min3A_111, %mul3A_112 : i32
      %add3A_114 = arith.constant 0 : i32
      %add3A_115 = arith.addi %add3A_114, %mul3A_113 : i32
      %add3A_116 = arith.constant 0 : i32
      %add3A_117 = arith.addi %add3A_115, %add3A_116 : i32
      %get3A_118 = arith.index_cast %add3A_117 : i32 to index
      %get3A_119 = tpu.vector_load %arg6[%get3A_118] {strides = array<i32>} : memref<4000xi32, #tpu.memory_space<vmem>>, vector<16xi32>,
      %add3A_120 = arith.constant 16 : i32
      %add3A_121 = arith.addi %add3A_115, %add3A_120 : i32
      %get3A_122 = arith.index_cast %add3A_121 : i32 to index
      %get3A_123 = tpu.vector_load %arg6[%get3A_122] {strides = array<i32>} : memref<4000xi32, #tpu.memory_space<vmem>>, vector<16xi32>,
      %add3A_124 = arith.constant 32 : i32
      %add3A_125 = arith.addi %add3A_115, %add3A_124 : i32
      %get3A_126 = arith.index_cast %add3A_125 : i32 to index
      %get3A_127 = tpu.vector_load %arg6[%get3A_126] {strides = array<i32>} : memref<4000xi32, #tpu.memory_space<vmem>>, vector<16xi32>,
      %add3A_128 = arith.constant 48 : i32
      %add3A_129 = arith.addi %add3A_115, %add3A_128 : i32
      %get3A_130 = arith.index_cast %add3A_129 : i32 to index
      %get3A_131 = tpu.vector_load %arg6[%get3A_130] {strides = array<i32>} : memref<4000xi32, #tpu.memory_space<vmem>>, vector<16xi32>,
      %add3A_132 = arith.constant 64 : i32
      %add3A_133 = arith.addi %add3A_115, %add3A_132 : i32
      %get3A_134 = arith.index_cast %add3A_133 : i32 to index
      %get3A_135 = tpu.vector_load %arg6[%get3A_134] {strides = array<i32>} : memref<4000xi32, #tpu.memory_space<vmem>>, vector<16xi32>,
      %add3A_136 = arith.constant 0 : i32
      %add3A_137 = arith.addi %add3A_115, %add3A_136 : i32
      %get3A_138 = arith.index_cast %add3A_137 : i32 to index
      %get3A_139 = tpu.vector_load %arg7[%get3A_138] {strides = array<i32>} : memref<4000xi32, #tpu.memory_space<vmem>>, vector<16xi32>,
      %add3A_140 = arith.constant 16 : i32
      %add3A_141 = arith.addi %add3A_115, %add3A_140 : i32
      %get3A_142 = arith.index_cast %add3A_141 : i32 to index
      %get3A_143 = tpu.vector_load %arg7[%get3A_142] {strides = array<i32>} : memref<4000xi32, #tpu.memory_space<vmem>>, vector<16xi32>,
      %add3A_144 = arith.constant 32 : i32
      %add3A_145 = arith.addi %add3A_115, %add3A_144 : i32
      %get3A_146 = arith.index_cast %add3A_145 : i32 to index
      %get3A_147 = tpu.vector_load %arg7[%get3A_146] {strides = array<i32>} : memref<4000xi32, #tpu.memory_space<vmem>>, vector<16xi32>,
      %add3A_148 = arith.constant 48 : i32
      %add3A_149 = arith.addi %add3A_115, %add3A_148 : i32
      %get3A_150 = arith.index_cast %add3A_149 : i32 to index
      %get3A_151 = tpu.vector_load %arg7[%get3A_150] {strides = array<i32>} : memref<4000xi32, #tpu.memory_space<vmem>>, vector<16xi32>,
      %add3A_152 = arith.constant 64 : i32
      %add3A_153 = arith.addi %add3A_115, %add3A_152 : i32
      %get3A_154 = arith.index_cast %add3A_153 : i32 to index
      %get3A_155 = tpu.vector_load %arg7[%get3A_154] {strides = array<i32>} : memref<4000xi32, #tpu.memory_space<vmem>>, vector<16xi32>,
      %sub3A = vector.broadcast %mul3A_2 : i32 to vector<16xi32>
      %sub3A_156 = arith.subi %scan3A_98, %sub3A : vector<16xi32>
      %bitcast3A = vector.bitcast %sub3A_156 : vector<16xi32> to vector<16xi32>
      %lt3A = arith.constant 5000 : i32
      %lt3A_157 = vector.broadcast %lt3A : i32 to vector<16xi32>
      %lt3A_158 = arith.cmpi ult, %bitcast3A, %lt3A_157 : vector<16xi32>
      tpu.vector_store_idx %arg5[%sub3A_156], %scan3A_103 masked %lt3A_158 : memref<5008xi32, #tpu.memory_space<vmem>>[vector<16xi32>], vector<16xi32>, vector<16xi1>
      %sub3A_159 = vector.broadcast %mul3A_2 : i32 to vector<16xi32>
      %sub3A_160 = arith.subi %scan3A_99, %sub3A_159 : vector<16xi32>
      %bitcast3A_161 = vector.bitcast %sub3A_160 : vector<16xi32> to vector<16xi32>
      %lt3A_162 = arith.constant 5000 : i32
      %lt3A_163 = vector.broadcast %lt3A_162 : i32 to vector<16xi32>
      %lt3A_164 = arith.cmpi ult, %bitcast3A_161, %lt3A_163 : vector<16xi32>
      tpu.vector_store_idx %arg5[%sub3A_160], %scan3A_104 masked %lt3A_164 : memref<5008xi32, #tpu.memory_space<vmem>>[vector<16xi32>], vector<16xi32>, vector<16xi1>
      %sub3A_165 = vector.broadcast %mul3A_2 : i32 to vector<16xi32>
      %sub3A_166 = arith.subi %scan3A_100, %sub3A_165 : vector<16xi32>
      %bitcast3A_167 = vector.bitcast %sub3A_166 : vector<16xi32> to vector<16xi32>
      %lt3A_168 = arith.constant 5000 : i32
      %lt3A_169 = vector.broadcast %lt3A_168 : i32 to vector<16xi32>
      %lt3A_170 = arith.cmpi ult, %bitcast3A_167, %lt3A_169 : vector<16xi32>
      tpu.vector_store_idx %arg5[%sub3A_166], %scan3A_105 masked %lt3A_170 : memref<5008xi32, #tpu.memory_space<vmem>>[vector<16xi32>], vector<16xi32>, vector<16xi1>
      %sub3A_171 = vector.broadcast %mul3A_2 : i32 to vector<16xi32>
      %sub3A_172 = arith.subi %scan3A_101, %sub3A_171 : vector<16xi32>
      %bitcast3A_173 = vector.bitcast %sub3A_172 : vector<16xi32> to vector<16xi32>
      %lt3A_174 = arith.constant 5000 : i32
      %lt3A_175 = vector.broadcast %lt3A_174 : i32 to vector<16xi32>
      %lt3A_176 = arith.cmpi ult, %bitcast3A_173, %lt3A_175 : vector<16xi32>
      tpu.vector_store_idx %arg5[%sub3A_172], %scan3A_106 masked %lt3A_176 : memref<5008xi32, #tpu.memory_space<vmem>>[vector<16xi32>], vector<16xi32>, vector<16xi1>
      %sub3A_177 = vector.broadcast %mul3A_2 : i32 to vector<16xi32>
      %sub3A_178 = arith.subi %scan3A_102, %sub3A_177 : vector<16xi32>
      %bitcast3A_179 = vector.bitcast %sub3A_178 : vector<16xi32> to vector<16xi32>
      %lt3A_180 = arith.constant 5000 : i32
      %lt3A_181 = vector.broadcast %lt3A_180 : i32 to vector<16xi32>
      %lt3A_182 = arith.cmpi ult, %bitcast3A_179, %lt3A_181 : vector<16xi32>
      tpu.vector_store_idx %arg5[%sub3A_178], %scan3A_107 masked %lt3A_182 : memref<5008xi32, #tpu.memory_space<vmem>>[vector<16xi32>], vector<16xi32>, vector<16xi1>
      scf.yield %get3A_119, %get3A_123, %get3A_127, %get3A_131, %get3A_135, %get3A_139, %get3A_143, %get3A_147, %get3A_151, %get3A_155 : vector<16xi32>, vector<16xi32>, vector<16xi32>, vector<16xi32>, vector<16xi32>, vector<16xi32>, vector<16xi32>, vector<16xi32>, vector<16xi32>, vector<16xi32>
    }
    %scan3A_96 = arith.constant 25 : i32
    "tpu.region"() ({
      %run_scoped3A = tpu.sem_alloc : memref<!tpu.dma_semaphore, #tpu.memory_space<semaphore_mem>>
      %dma_start3A_97 = arith.constant 0 : i32
      %dma_start3A_98 = tpu.memref_slice %arg5[%dma_start3A_97] : memref<5008xi32, #tpu.memory_space<vmem>> -> memref<5000xi32, #tpu.memory_space<vmem>>
      %dma_start3A_99 = tpu.memref_slice %arg4[%mul3A_2] : memref<160000xi32, #tpu.memory_space<hbm>> -> memref<5000xi32, #tpu.memory_space<hbm>>
      %dma_start3A_100 = tpu.memref_slice %arg4[%mul3A_2] : memref<160000xi32, #tpu.memory_space<hbm>> -> memref<5000xi32, #tpu.memory_space<hbm>>
      %dma_start3A_101 = arith.constant 0 : i32
      %dma_start3A_102 = tpu.memref_slice %arg5[%dma_start3A_101] : memref<5008xi32, #tpu.memory_space<vmem>> -> memref<5000xi32, #tpu.memory_space<vmem>>
      tpu.enqueue_dma source(%dma_start3A_102 : memref<5000xi32, #tpu.memory_space<vmem>>) target(%dma_start3A_100 : memref<5000xi32, #tpu.memory_space<hbm>>) target_semaphore(%run_scoped3A : memref<!tpu.dma_semaphore, #tpu.memory_space<semaphore_mem>>)
      %dma_wait3A_103 = arith.constant 0 : i32
      %dma_wait3A_104 = tpu.memref_slice %arg5[%dma_wait3A_103] : memref<5008xi32, #tpu.memory_space<vmem>> -> memref<5000xi32, #tpu.memory_space<vmem>>
      %dma_wait3A_105 = tpu.memref_slice %arg4[%mul3A_2] : memref<160000xi32, #tpu.memory_space<hbm>> -> memref<5000xi32, #tpu.memory_space<hbm>>
      %dma_wait3A_106 = tpu.memref_slice %arg4[%mul3A_2] : memref<160000xi32, #tpu.memory_space<hbm>> -> memref<5000xi32, #tpu.memory_space<hbm>>
      %dma_wait3A_107 = arith.constant 0 : i32
      %dma_wait3A_108 = tpu.memref_slice %arg5[%dma_wait3A_107] : memref<5008xi32, #tpu.memory_space<vmem>> -> memref<5000xi32, #tpu.memory_space<vmem>>
      tpu.wait_dma2 semaphore(%run_scoped3A : memref<!tpu.dma_semaphore, #tpu.memory_space<semaphore_mem>>) src(%dma_wait3A_108 : memref<5000xi32, #tpu.memory_space<vmem>>) dst(%dma_wait3A_106 : memref<5000xi32, #tpu.memory_space<hbm>>)
      tpu.yield
    }) : () -> ()
    return
  }
}

module attributes {stable_mosaic.version = 14 : i64} {
  func.func @_gc_body(%arg0: memref<6x25000xi32, #tpu.memory_space<vmem>>, %arg1: memref<6x25000xi32, #tpu.memory_space<vmem>>) attributes {dimension_semantics = [], scalar_prefetch = 0 : i64, scratch_operands = 0 : i64, tpu.core_type = #tpu.core_type<tc>} {
    %iota3A = tpu.iota {dimensions = array<i32: 0>} : vector<6x25000xi32>
    %get3A = arith.constant 0 : index
    %get3A_0 = arith.constant 0 : index
    %get3A_1 = vector.load %arg0[%get3A, %get3A_0] : memref<6x25000xi32, #tpu.memory_space<vmem>>, vector<6x25000xi32>
    %mul3A = arith.constant 12672 : i32
    %mul3A_2 = vector.broadcast %mul3A : i32 to vector<6x25000xi32>
    %mul3A_3 = arith.muli %iota3A, %mul3A_2 : vector<6x25000xi32>
    %add3A = arith.addi %get3A_1, %mul3A_3 : vector<6x25000xi32>
    %swap3A = arith.constant 0 : index
    %swap3A_4 = arith.constant 0 : index
    %swap3A_5 = vector.load %arg1[%swap3A, %swap3A_4] : memref<6x25000xi32, #tpu.memory_space<vmem>>, vector<6x25000xi32>
    tpu.vector_store %arg1[%swap3A, %swap3A_4], %add3A {strides = array<i32>} : memref<6x25000xi32, #tpu.memory_space<vmem>>, vector<6x25000xi32>,
    return
  }
}

module attributes {stable_mosaic.version = 14 : i64} {
  func.func @_t1_body(%arg0: i32, %arg1: i32, %arg2: memref<1x64x8x176xf32, #tpu.memory_space<vmem>>, %arg3: memref<1408x64xf32, #tpu.memory_space<vmem>>) attributes {dimension_semantics = [#tpu.dimension_semantics<arbitrary>, #tpu.dimension_semantics<arbitrary>], iteration_bounds = array<i64: 6, 9>, scalar_prefetch = 0 : i64, scratch_operands = 0 : i64, tpu.core_type = #tpu.core_type<tc>, window_params = [{transform_indices = @transform_0, window_bounds = array<i64: 1, 64, 8, 176>}, {transform_indices = @transform_1, window_bounds = array<i64: 1408, 64>}]} {
    %get3A = arith.constant 0 : index
    %get3A_0 = arith.constant 0 : index
    %get3A_1 = arith.constant 0 : index
    %get3A_2 = arith.constant 0 : index
    %get3A_3 = vector.load %arg2[%get3A, %get3A_0, %get3A_1, %get3A_2] : memref<1x64x8x176xf32, #tpu.memory_space<vmem>>, vector<1x64x8x176xf32>
    %get3A_4 = vector.shape_cast %get3A_3 : vector<1x64x8x176xf32> to vector<64x8x176xf32>
    %iota3A = tpu.iota {dimensions = array<i32: 0>} : vector<64x64xi32>
    %iota3A_5 = tpu.iota {dimensions = array<i32: 1>} : vector<64x64xi32>
    %eq3A = arith.cmpi eq, %iota3A, %iota3A_5 : vector<64x64xi32>
    %convert_element_type3A = arith.extui %eq3A : vector<64x64xi1> to vector<64x64xi32>
    %convert_element_type3A_6 = arith.sitofp %convert_element_type3A : vector<64x64xi32> to vector<64x64xf32>
    %slice3A = vector.extract_strided_slice %get3A_4 {offsets = [0, 0, 0], sizes = [64, 1, 176], strides = [1, 1, 1]} : vector<64x8x176xf32> to vector<64x1x176xf32>
    %squeeze3A = vector.shape_cast %slice3A : vector<64x1x176xf32> to vector<64x176xf32>
    %dot_general3A = arith.constant dense<0.000000e+00> : vector<176x64xf32>
    %dot_general3A_7 = tpu.matmul %squeeze3A, %convert_element_type3A_6, %dot_general3A {dimension_numbers = #tpu.dot_dimension_numbers<[0], [0], [1], [1], [0, 1, 1, 1], [], []>, precision = #tpu.contract_precision<fp32>, transpose_lhs_hint = false} : vector<64x176xf32>, vector<64x64xf32>, vector<176x64xf32> -> vector<176x64xf32>
    %eq3A_8 = arith.constant 8 : i32
    %eq3A_9 = arith.cmpi eq, %arg1, %eq3A_8 : i32
    %broadcast_in_dim3A = arith.constant 0.000000e+00 : f32
    %broadcast_in_dim3A_10 = vector.broadcast %broadcast_in_dim3A : f32 to vector<176x64xf32>
    %select_n3A = arith.select %eq3A_9, %broadcast_in_dim3A_10, %dot_general3A_7 : vector<176x64xf32>
    %swap3A = arith.constant 0 : index
    %swap3A_11 = arith.constant 0 : index
    %swap3A_12 = vector.load %arg3[%swap3A, %swap3A_11] : memref<1408x64xf32, #tpu.memory_space<vmem>>, vector<176x64xf32>
    tpu.vector_store %arg3[%swap3A, %swap3A_11], %select_n3A {strides = array<i32>} : memref<1408x64xf32, #tpu.memory_space<vmem>>, vector<176x64xf32>,
    %slice3A_13 = vector.extract_strided_slice %get3A_4 {offsets = [0, 1, 0], sizes = [64, 1, 176], strides = [1, 1, 1]} : vector<64x8x176xf32> to vector<64x1x176xf32>
    %squeeze3A_14 = vector.shape_cast %slice3A_13 : vector<64x1x176xf32> to vector<64x176xf32>
    %dot_general3A_15 = arith.constant dense<0.000000e+00> : vector<176x64xf32>
    %dot_general3A_16 = tpu.matmul %squeeze3A_14, %convert_element_type3A_6, %dot_general3A_15 {dimension_numbers = #tpu.dot_dimension_numbers<[0], [0], [1], [1], [0, 1, 1, 1], [], []>, precision = #tpu.contract_precision<fp32>, transpose_lhs_hint = false} : vector<64x176xf32>, vector<64x64xf32>, vector<176x64xf32> -> vector<176x64xf32>
    %eq3A_17 = arith.constant 8 : i32
    %eq3A_18 = arith.cmpi eq, %arg1, %eq3A_17 : i32
    %broadcast_in_dim3A_19 = arith.constant 0.000000e+00 : f32
    %broadcast_in_dim3A_20 = vector.broadcast %broadcast_in_dim3A_19 : f32 to vector<176x64xf32>
    %select_n3A_21 = arith.select %eq3A_18, %broadcast_in_dim3A_20, %dot_general3A_16 : vector<176x64xf32>
    %swap3A_22 = arith.constant 176 : index
    %swap3A_23 = arith.constant 0 : index
    %swap3A_24 = vector.load %arg3[%swap3A_22, %swap3A_23] : memref<1408x64xf32, #tpu.memory_space<vmem>>, vector<176x64xf32>
    tpu.vector_store %arg3[%swap3A_22, %swap3A_23], %select_n3A_21 {strides = array<i32>} : memref<1408x64xf32, #tpu.memory_space<vmem>>, vector<176x64xf32>,
    %slice3A_25 = vector.extract_strided_slice %get3A_4 {offsets = [0, 2, 0], sizes = [64, 1, 176], strides = [1, 1, 1]} : vector<64x8x176xf32> to vector<64x1x176xf32>
    %squeeze3A_26 = vector.shape_cast %slice3A_25 : vector<64x1x176xf32> to vector<64x176xf32>
    %dot_general3A_27 = arith.constant dense<0.000000e+00> : vector<176x64xf32>
    %dot_general3A_28 = tpu.matmul %squeeze3A_26, %convert_element_type3A_6, %dot_general3A_27 {dimension_numbers = #tpu.dot_dimension_numbers<[0], [0], [1], [1], [0, 1, 1, 1], [], []>, precision = #tpu.contract_precision<fp32>, transpose_lhs_hint = false} : vector<64x176xf32>, vector<64x64xf32>, vector<176x64xf32> -> vector<176x64xf32>
    %eq3A_29 = arith.constant 8 : i32
    %eq3A_30 = arith.cmpi eq, %arg1, %eq3A_29 : i32
    %broadcast_in_dim3A_31 = arith.constant 0.000000e+00 : f32
    %broadcast_in_dim3A_32 = vector.broadcast %broadcast_in_dim3A_31 : f32 to vector<176x64xf32>
    %select_n3A_33 = arith.select %eq3A_30, %broadcast_in_dim3A_32, %dot_general3A_28 : vector<176x64xf32>
    %swap3A_34 = arith.constant 352 : index
    %swap3A_35 = arith.constant 0 : index
    %swap3A_36 = vector.load %arg3[%swap3A_34, %swap3A_35] : memref<1408x64xf32, #tpu.memory_space<vmem>>, vector<176x64xf32>
    tpu.vector_store %arg3[%swap3A_34, %swap3A_35], %select_n3A_33 {strides = array<i32>} : memref<1408x64xf32, #tpu.memory_space<vmem>>, vector<176x64xf32>,
    %slice3A_37 = vector.extract_strided_slice %get3A_4 {offsets = [0, 3, 0], sizes = [64, 1, 176], strides = [1, 1, 1]} : vector<64x8x176xf32> to vector<64x1x176xf32>
    %squeeze3A_38 = vector.shape_cast %slice3A_37 : vector<64x1x176xf32> to vector<64x176xf32>
    %dot_general3A_39 = arith.constant dense<0.000000e+00> : vector<176x64xf32>
    %dot_general3A_40 = tpu.matmul %squeeze3A_38, %convert_element_type3A_6, %dot_general3A_39 {dimension_numbers = #tpu.dot_dimension_numbers<[0], [0], [1], [1], [0, 1, 1, 1], [], []>, precision = #tpu.contract_precision<fp32>, transpose_lhs_hint = false} : vector<64x176xf32>, vector<64x64xf32>, vector<176x64xf32> -> vector<176x64xf32>
    %eq3A_41 = arith.constant 8 : i32
    %eq3A_42 = arith.cmpi eq, %arg1, %eq3A_41 : i32
    %broadcast_in_dim3A_43 = arith.constant 0.000000e+00 : f32
    %broadcast_in_dim3A_44 = vector.broadcast %broadcast_in_dim3A_43 : f32 to vector<176x64xf32>
    %select_n3A_45 = arith.select %eq3A_42, %broadcast_in_dim3A_44, %dot_general3A_40 : vector<176x64xf32>
    %swap3A_46 = arith.constant 528 : index
    %swap3A_47 = arith.constant 0 : index
    %swap3A_48 = vector.load %arg3[%swap3A_46, %swap3A_47] : memref<1408x64xf32, #tpu.memory_space<vmem>>, vector<176x64xf32>
    tpu.vector_store %arg3[%swap3A_46, %swap3A_47], %select_n3A_45 {strides = array<i32>} : memref<1408x64xf32, #tpu.memory_space<vmem>>, vector<176x64xf32>,
    %slice3A_49 = vector.extract_strided_slice %get3A_4 {offsets = [0, 4, 0], sizes = [64, 1, 176], strides = [1, 1, 1]} : vector<64x8x176xf32> to vector<64x1x176xf32>
    %squeeze3A_50 = vector.shape_cast %slice3A_49 : vector<64x1x176xf32> to vector<64x176xf32>
    %dot_general3A_51 = arith.constant dense<0.000000e+00> : vector<176x64xf32>
    %dot_general3A_52 = tpu.matmul %squeeze3A_50, %convert_element_type3A_6, %dot_general3A_51 {dimension_numbers = #tpu.dot_dimension_numbers<[0], [0], [1], [1], [0, 1, 1, 1], [], []>, precision = #tpu.contract_precision<fp32>, transpose_lhs_hint = false} : vector<64x176xf32>, vector<64x64xf32>, vector<176x64xf32> -> vector<176x64xf32>
    %eq3A_53 = arith.constant 8 : i32
    %eq3A_54 = arith.cmpi eq, %arg1, %eq3A_53 : i32
    %broadcast_in_dim3A_55 = arith.constant 0.000000e+00 : f32
    %broadcast_in_dim3A_56 = vector.broadcast %broadcast_in_dim3A_55 : f32 to vector<176x64xf32>
    %select_n3A_57 = arith.select %eq3A_54, %broadcast_in_dim3A_56, %dot_general3A_52 : vector<176x64xf32>
    %swap3A_58 = arith.constant 704 : index
    %swap3A_59 = arith.constant 0 : index
    %swap3A_60 = vector.load %arg3[%swap3A_58, %swap3A_59] : memref<1408x64xf32, #tpu.memory_space<vmem>>, vector<176x64xf32>
    tpu.vector_store %arg3[%swap3A_58, %swap3A_59], %select_n3A_57 {strides = array<i32>} : memref<1408x64xf32, #tpu.memory_space<vmem>>, vector<176x64xf32>,
    %slice3A_61 = vector.extract_strided_slice %get3A_4 {offsets = [0, 5, 0], sizes = [64, 1, 176], strides = [1, 1, 1]} : vector<64x8x176xf32> to vector<64x1x176xf32>
    %squeeze3A_62 = vector.shape_cast %slice3A_61 : vector<64x1x176xf32> to vector<64x176xf32>
    %dot_general3A_63 = arith.constant dense<0.000000e+00> : vector<176x64xf32>
    %dot_general3A_64 = tpu.matmul %squeeze3A_62, %convert_element_type3A_6, %dot_general3A_63 {dimension_numbers = #tpu.dot_dimension_numbers<[0], [0], [1], [1], [0, 1, 1, 1], [], []>, precision = #tpu.contract_precision<fp32>, transpose_lhs_hint = false} : vector<64x176xf32>, vector<64x64xf32>, vector<176x64xf32> -> vector<176x64xf32>
    %eq3A_65 = arith.constant 8 : i32
    %eq3A_66 = arith.cmpi eq, %arg1, %eq3A_65 : i32
    %broadcast_in_dim3A_67 = arith.constant 0.000000e+00 : f32
    %broadcast_in_dim3A_68 = vector.broadcast %broadcast_in_dim3A_67 : f32 to vector<176x64xf32>
    %select_n3A_69 = arith.select %eq3A_66, %broadcast_in_dim3A_68, %dot_general3A_64 : vector<176x64xf32>
    %swap3A_70 = arith.constant 880 : index
    %swap3A_71 = arith.constant 0 : index
    %swap3A_72 = vector.load %arg3[%swap3A_70, %swap3A_71] : memref<1408x64xf32, #tpu.memory_space<vmem>>, vector<176x64xf32>
    tpu.vector_store %arg3[%swap3A_70, %swap3A_71], %select_n3A_69 {strides = array<i32>} : memref<1408x64xf32, #tpu.memory_space<vmem>>, vector<176x64xf32>,
    %slice3A_73 = vector.extract_strided_slice %get3A_4 {offsets = [0, 6, 0], sizes = [64, 1, 176], strides = [1, 1, 1]} : vector<64x8x176xf32> to vector<64x1x176xf32>
    %squeeze3A_74 = vector.shape_cast %slice3A_73 : vector<64x1x176xf32> to vector<64x176xf32>
    %dot_general3A_75 = arith.constant dense<0.000000e+00> : vector<176x64xf32>
    %dot_general3A_76 = tpu.matmul %squeeze3A_74, %convert_element_type3A_6, %dot_general3A_75 {dimension_numbers = #tpu.dot_dimension_numbers<[0], [0], [1], [1], [0, 1, 1, 1], [], []>, precision = #tpu.contract_precision<fp32>, transpose_lhs_hint = false} : vector<64x176xf32>, vector<64x64xf32>, vector<176x64xf32> -> vector<176x64xf32>
    %eq3A_77 = arith.constant 8 : i32
    %eq3A_78 = arith.cmpi eq, %arg1, %eq3A_77 : i32
    %broadcast_in_dim3A_79 = arith.constant 0.000000e+00 : f32
    %broadcast_in_dim3A_80 = vector.broadcast %broadcast_in_dim3A_79 : f32 to vector<176x64xf32>
    %select_n3A_81 = arith.select %eq3A_78, %broadcast_in_dim3A_80, %dot_general3A_76 : vector<176x64xf32>
    %swap3A_82 = arith.constant 1056 : index
    %swap3A_83 = arith.constant 0 : index
    %swap3A_84 = vector.load %arg3[%swap3A_82, %swap3A_83] : memref<1408x64xf32, #tpu.memory_space<vmem>>, vector<176x64xf32>
    tpu.vector_store %arg3[%swap3A_82, %swap3A_83], %select_n3A_81 {strides = array<i32>} : memref<1408x64xf32, #tpu.memory_space<vmem>>, vector<176x64xf32>,
    %slice3A_85 = vector.extract_strided_slice %get3A_4 {offsets = [0, 7, 0], sizes = [64, 1, 176], strides = [1, 1, 1]} : vector<64x8x176xf32> to vector<64x1x176xf32>
    %squeeze3A_86 = vector.shape_cast %slice3A_85 : vector<64x1x176xf32> to vector<64x176xf32>
    %dot_general3A_87 = arith.constant dense<0.000000e+00> : vector<176x64xf32>
    %dot_general3A_88 = tpu.matmul %squeeze3A_86, %convert_element_type3A_6, %dot_general3A_87 {dimension_numbers = #tpu.dot_dimension_numbers<[0], [0], [1], [1], [0, 1, 1, 1], [], []>, precision = #tpu.contract_precision<fp32>, transpose_lhs_hint = false} : vector<64x176xf32>, vector<64x64xf32>, vector<176x64xf32> -> vector<176x64xf32>
    %eq3A_89 = arith.constant 8 : i32
    %eq3A_90 = arith.cmpi eq, %arg1, %eq3A_89 : i32
    %broadcast_in_dim3A_91 = arith.constant 0.000000e+00 : f32
    %broadcast_in_dim3A_92 = vector.broadcast %broadcast_in_dim3A_91 : f32 to vector<176x64xf32>
    %select_n3A_93 = arith.select %eq3A_90, %broadcast_in_dim3A_92, %dot_general3A_88 : vector<176x64xf32>
    %swap3A_94 = arith.constant 1232 : index
    %swap3A_95 = arith.constant 0 : index
    %swap3A_96 = vector.load %arg3[%swap3A_94, %swap3A_95] : memref<1408x64xf32, #tpu.memory_space<vmem>>, vector<176x64xf32>
    tpu.vector_store %arg3[%swap3A_94, %swap3A_95], %select_n3A_93 {strides = array<i32>} : memref<1408x64xf32, #tpu.memory_space<vmem>>, vector<176x64xf32>,
    return
  }
  func.func @transform_0(%arg0: i32, %arg1: i32) -> (i32, i32, i32, i32) {
    %min3A = arith.constant 7 : i32
    %min3A_0 = arith.minsi %arg1, %min3A : i32
    %c0_i32 = arith.constant 0 : i32
    %c0_i32_1 = arith.constant 0 : i32
    %c0_i32_2 = arith.constant 0 : i32
    return %arg0, %c0_i32, %min3A_0, %c0_i32_1 : i32, i32, i32, i32
  }
  func.func @transform_1(%arg0: i32, %arg1: i32) -> (i32, i32) {
    %mul3A = arith.constant 9 : i32
    %mul3A_0 = arith.muli %arg0, %mul3A : i32
    %add3A = arith.addi %mul3A_0, %arg1 : i32
    %c0_i32 = arith.constant 0 : i32
    %c0_i32_1 = arith.constant 0 : i32
    return %add3A, %c0_i32 : i32, i32
  }
}

module attributes {stable_mosaic.version = 14 : i64} {
  func.func @_t2_body(%arg0: i32, %arg1: memref<4096x256xf32, #tpu.memory_space<vmem>>, %arg2: memref<256x4096xf32, #tpu.memory_space<vmem>>) attributes {dimension_semantics = [#tpu.dimension_semantics<arbitrary>], iteration_bounds = array<i64: 10>, scalar_prefetch = 0 : i64, scratch_operands = 0 : i64, tpu.core_type = #tpu.core_type<tc>, window_params = [{transform_indices = @transform_0, window_bounds = array<i64: 4096, 256>}, {transform_indices = @transform_1, window_bounds = array<i64: 256, 4096>}]} {
    %get3A = arith.constant 0 : index
    %get3A_0 = arith.constant 0 : index
    %get3A_1 = vector.load %arg1[%get3A, %get3A_0] : memref<4096x256xf32, #tpu.memory_space<vmem>>, vector<4096x256xf32>
    %iota3A = tpu.iota {dimensions = array<i32: 0>} : vector<256x256xi32>
    %iota3A_2 = tpu.iota {dimensions = array<i32: 1>} : vector<256x256xi32>
    %eq3A = arith.cmpi eq, %iota3A, %iota3A_2 : vector<256x256xi32>
    %convert_element_type3A = arith.extui %eq3A : vector<256x256xi1> to vector<256x256xi32>
    %convert_element_type3A_3 = arith.sitofp %convert_element_type3A : vector<256x256xi32> to vector<256x256xf32>
    %dot_general3A = arith.constant dense<0.000000e+00> : vector<256x4096xf32>
    %dot_general3A_4 = tpu.matmul %convert_element_type3A_3, %get3A_1, %dot_general3A {dimension_numbers = #tpu.dot_dimension_numbers<[0], [1], [1], [0], [0, 1, 1, 0], [], []>, precision = #tpu.contract_precision<fp32>, transpose_lhs_hint = false} : vector<256x256xf32>, vector<4096x256xf32>, vector<256x4096xf32> -> vector<256x4096xf32>
    %swap3A = arith.constant 0 : index
    %swap3A_5 = arith.constant 0 : index
    %swap3A_6 = vector.load %arg2[%swap3A, %swap3A_5] : memref<256x4096xf32, #tpu.memory_space<vmem>>, vector<256x4096xf32>
    tpu.vector_store %arg2[%swap3A, %swap3A_5], %dot_general3A_4 {strides = array<i32>} : memref<256x4096xf32, #tpu.memory_space<vmem>>, vector<256x4096xf32>,
    return
  }
  func.func @transform_0(%arg0: i32) -> (i32, i32) {
    %c0_i32 = arith.constant 0 : i32
    %c0_i32_0 = arith.constant 0 : i32
    return %arg0, %c0_i32 : i32, i32
  }
  func.func @transform_1(%arg0: i32) -> (i32, i32) {
    %c0_i32 = arith.constant 0 : i32
    %c0_i32_0 = arith.constant 0 : i32
    return %c0_i32, %arg0 : i32, i32
  }
}

</mosaic_0001>

<sc_bundles>
// kernel: kernel.10.cloned.1.call-start
scs
__scs_entry_jumppad:
0x0: {  	(pc) =	sbr.rel $0x88, $3  }
0x1: {  	(tag) =	ssettag $0x0;
	lr =	simm.s32 $0x1  }
0x2: {  	[smem:$0x3F9E] =	sst lr;
	_ =	strace $0xD0000000  }
0x3: {  	_ = 	snop  }
0x4: {  	_ = 	snop  }
0x5: {  	_ = 	snop  }
0x6: {  	_ = 	snop  }
0x7: {  	_ = 	snop  }
__scs_overlays_trampoline_lowered:
0x8: {  	[smem:$0x3FAD] =	sst s0  }
0x9: {  	[smem:$0x3FAE] =	sst s1  }
0xa: {  	[smem:$0x3FAF] =	sst s2  }
0xb: {  	[smem:$0x3FB0] =	sst s3  }
0xc: {  	[smem:$0x3FB1] =	sst s4  }
0xd: {  	[smem:$0x3FB2] =	sst s5  }
0xe: {  	[smem:$0x3FB3] =	sst s6  }
0xf: {  	[smem:$0x3FB4] =	sst s7  }
0x10: {  	[smem:$0x3FB5] =	sst s8  }
0x11: {  	[smem:$0x3FB6] =	sst s9;
	s0 =	simm.s32 @!p0 $0x0  }
0x12: {  	s1 =	sld [smem:$0x3F9C];
	s0 =	simm.s32 @p0 $0x1  }
0x13: {  	[smem:$0x3FB7] =	sst s0;
	s0 =	simm.s32 @!p1 $0x0  }
0x14: {  	s2 =	sld [smem:$0x3F9B];
	s0 =	simm.s32 @p1 $0x1  }
0x15: {  	[smem:$0x3FB8] =	sst s0;
	s0 =	simm.s32 @!p2 $0x0  }
0x16: {  	s3 =	sld [smem:$0x3FDB];
	s0 =	simm.s32 @p2 $0x1  }
0x17: {  	s4 =	simm.s32 $0x1BF5;
	[smem:$0x3FBA] =	sst s0  }
0x18: {  	s0 =	sld [smem:$0x3F9D];
	_ =	swait.ge [sflag:s4], $0x0  }
0x19: {  	s7 =	sld [smem:$0x3F9E]  }
0x1a: {  	s8 =	sadd.s32 $0xFFFFE003, lr  }
0x1b: {  	s9 =	sadd.s32 $0xFFFFFEF7, lr;
	s5 =	simm.s32 $0xFFFFFFFF;
	p2 =	slt.u32 s8, $0xFFFFF086  }
0x1c: {  	p1 =	slt.u32 s9, $0xF7A;
	s5 =	simm.s32 @!p2 $0x0  }
0x1d: {  	s5 =	simm.s32 @p1 $0x1;
	p0 =	seq.s32 s7, s2  }
0x1e: {  	s7 =	smul.u32 @!p0 $0xF7A, s2;
	p2 =	seq.s32 @!p0 s5, $0x0  }
0x1f: {  	s9 =	smul.u32 $0xF7A, s1;
	s8 =	simm.s32 @!p0 $0x1BF5;
	p2 =	por !p2, p0  }
0x20: {  	[sflag:s8] =	ssyncset.s32 @!p0 $0xFFFFF086;
	s6 =	sadd.s32 @!p0 s3, s7;
	s7 =	simm.s32 @!p0 $0x108  }
0x21: {  	s3 =	sadd.s32 s3, s9;
	s6 =	sadd.s32 @!p0 $0x88, s6;
	s7 =	simm.s32 @p2 $0x1082  }
0x22: {  	[simem:s7], [sflag:s8] =	dma.local @!p0 [hbm:s6], $0xF7A  }
0x23: {  	s9 =	sor.u32 $0xD0000000, s2;
	s6 =	simm.s32 $0x108;
	_ =	swait.ge @!p0 [sflag:s8], $0x0  }
0x24: {  	s3 =	sadd.s32 $0x88, s3;
	s6 =	simm.s32 @!p1 $0x1082;
	[sflag:s4] =	ssyncset.s32 $0xFFFFF086  }
0x25: {  	[simem:s6], [sflag:s4] =	dma.local [hbm:s3], $0xF7A  }
0x26: {  	[smem:$0x3F9E] =	sst s1;
	(tag) =	ssettag s2;
	_ =	strace s9  }
0x27: {  	s1 =	sld [smem:$0x3FAE]  }
0x28: {  	s2 =	sld [smem:$0x3FAF]  }
0x29: {  	s4 =	sld [smem:$0x3FB1]  }
0x2a: {  	p0 =	seq.s32 s5, $0x0;
	s5 =	sld [smem:$0x3FB2]  }
0x2b: {  	s6 =	sld [smem:$0x3FB3]  }
0x2c: {  	s7 =	sld [smem:$0x3FB4]  }
0x2d: {  	s3 =	simm.s32 $0x108;
	s8 =	sld [smem:$0x3FB5]  }
0x2e: {  	s3 =	simm.s32 @!p0 $0x1082;
	s9 =	sld [smem:$0x3FB6]  }
0x2f: {  	lr =	sadd.s32 s0, s3;
	s0 =	sld [smem:$0x3FAD]  }
0x30: {  	s3 =	sld [smem:$0x3FB0]  }
0x31: {  	[smem:$0x3FB9] =	sst s10  }
0x32: {  	s10 =	sld [smem:$0x3FB7];
	_ =	sdelay $0x3  }
0x33: {  	p0 =	seq.s32 s10, $0x1;
	s10 =	sld [smem:$0x3FB9];
	_ =	sdelay $0x3  }
0x34: {  	[smem:$0x3FB9] =	sst s10  }
0x35: {  	s10 =	sld [smem:$0x3FB8];
	_ =	sdelay $0x3  }
0x36: {  	p1 =	seq.s32 s10, $0x1;
	s10 =	sld [smem:$0x3FB9];
	_ =	sdelay $0x3  }
0x37: {  	[smem:$0x3FB9] =	sst s10  }
0x38: {  	s10 =	sld [smem:$0x3FBA]  }
0x39: {  	_ = 	snop;
	(pc) =	sbr.ind lr, $3  }
0x3a: {  	_ = 	snop  }
0x3b: {  	_ = 	snop  }
0x3c: {  	p2 =	seq.s32 s10, $0x1;
	s10 =	sld [smem:$0x3FB9]  }
0x3d: {  	_ =	shalt  }
0x3e: {  	_ =	shalt  }
0x3f: {  	_ =	shalt  }
0x40: {  	_ =	shalt  }
0x41: {  	_ =	shalt  }
0x42: {  	_ =	shalt  }
0x43: {  	_ =	shalt  }
0x44: {  	_ =	shalt  }
0x45: {  	_ =	shalt  }
0x46: {  	_ =	shalt  }
0x47: {  	_ =	shalt  }
0x48: {  	_ =	shalt  }
0x49: {  	_ =	shalt  }
0x4a: {  	_ =	shalt  }
0x4b: {  	_ =	shalt  }
0x4c: {  	_ =	shalt  }
0x4d: {  	_ =	shalt  }
0x4e: {  	_ =	shalt  }
0x4f: {  	_ =	shalt  }
0x50: {  	_ =	shalt  }
0x51: {  	_ =	shalt  }
0x52: {  	_ =	shalt  }
0x53: {  	_ =	shalt  }
0x54: {  	_ =	shalt  }
0x55: {  	_ =	shalt  }
0x56: {  	_ =	shalt  }
0x57: {  	_ =	shalt  }
0x58: {  	_ =	shalt  }
0x59: {  	_ =	shalt  }
0x5a: {  	_ =	shalt  }
0x5b: {  	_ =	shalt  }
0x5c: {  	_ =	shalt  }
0x5d: {  	_ =	shalt  }
0x5e: {  	_ =	shalt  }
0x5f: {  	_ =	shalt  }
0x60: {  	_ =	shalt  }
0x61: {  	_ =	shalt  }
0x62: {  	_ =	shalt  }
0x63: {  	_ =	shalt  }
0x64: {  	_ =	shalt  }
0x65: {  	_ =	shalt  }
0x66: {  	_ =	shalt  }
0x67: {  	_ =	shalt  }
0x68: {  	_ =	shalt  }
0x69: {  	_ =	shalt  }
0x6a: {  	_ =	shalt  }
0x6b: {  	_ =	shalt  }
0x6c: {  	_ =	shalt  }
0x6d: {  	_ =	shalt  }
0x6e: {  	_ =	shalt  }
0x6f: {  	_ =	shalt  }
0x70: {  	_ =	shalt  }
0x71: {  	_ =	shalt  }
0x72: {  	_ =	shalt  }
0x73: {  	_ =	shalt  }
0x74: {  	_ =	shalt  }
0x75: {  	_ =	shalt  }
0x76: {  	_ =	shalt  }
0x77: {  	_ =	shalt  }
0x78: {  	_ =	shalt  }
0x79: {  	_ =	shalt  }
0x7a: {  	_ =	shalt  }
0x7b: {  	_ =	shalt  }
0x7c: {  	_ =	shalt  }
0x7d: {  	_ =	shalt  }
0x7e: {  	_ =	shalt  }
0x7f: {  	_ =	shalt  }
0x80: {  	_ =	shalt  }
0x81: {  	_ =	shalt  }
0x82: {  	_ =	shalt  }
0x83: {  	_ =	shalt  }
0x84: {  	_ =	shalt  }
0x85: {  	_ =	shalt  }
0x86: {  	_ =	shalt  }
0x87: {  	_ =	shalt  }
.Lfunc_end0:
.L_simem_size_0:
called_computation.1_lowered:
.L_overlay_start_0:
0x88: {  	s2 =	sld [smem:$0x3FD9]  }
0x89: {  	s3 =	sld [smem:$0x3FFE];
	_ =	sdelay $0x1  }
0x8a: {  	s1 =	srdreg.scid  }
0x8b: {  	s0 =	sand.u32 $0x1, s1  }
0x8c: {  	s16 =	sshll.u32 s0, $0xA;
	s2 =	sadd.s32 s3, s2  }
0x8d: {  	s2 =	sadd.s32 s2, s16  }
0x8e: {  	[smem:$0x3FC5] =	sst s2  }
0x8f: {  	_ = 	snop  }
0x90: {  	(tm) =	ssettm $0x1  }
0x91: {  	s17 =	sld [smem:$0x3FFB];
	_ =	sdelay $0x3  }
0x92: {  	_ =	strace s17  }
0x93: {  	s2 =	sld [smem:$0x3FFC];
	_ =	sdelay $0x3  }
0x94: {  	_ =	strace s2  }
0x95: {  	s2 =	sld [smem:$0x3FFD];
	_ =	sdelay $0x3  }
0x96: {  	_ =	strace s2  }
0x97: {  	_ =	strace $0x8FFFFFFF  }
0x98: {  	s18 =	sld [smem:$0x3FDB];
	_ =	sdelay $0x1  }
0x99: {  	s19 =	simm.s32 $_scs_section_size  }
0x9a: {  	s4 =	simm.s32 $_size__tile_overlayer_lowered;
	s5 =	simm.s32 $_tile_overlayer_lowered  }
0x9b: {  	s22 =	simm.s32 $0x1BFF;
	s21 =	sshll.u32 s5, $0x1;
	s2 =	sadd.s32 s19, s18  }
0x9c: {  	s6 =	simm.s32 $0x0;
	s20 =	sshll.u32 s4, $0x1;
	s4 =	sadd.s32 s21, s2  }
0x9d: {  	[timem:s6], [sflag:s22] =	dma.local [hbm:s4], s20  }
0x9e: {  	_ =	swait.ge [sflag:s22], s20  }
0x9f: {  	s3 =	ssub.s32 $0x0, s20;
	[sflag:s22] =	ssyncset.done $0x0  }
0xa0: {  	[sflag:s22] =	ssyncadd.s32 s3;
	_ =	sdelay $0x1  }
0xa1: {  	s23 =	simm.s32 $0x1B8B  }
0xa2: {  	_ =	swait.ge [sflag:s23], $0x1  }
0xa3: {  	[sflag:s23] =	ssyncset.done $0x0  }
0xa4: {  	s25 =	simm.s32 $0x1B8E;
	s24 =	sld [smem:$0x3FFE];
	[sflag:s23] =	ssyncadd.s32 $0xFFFFFFFF  }
0xa5: {  	s26 =	simm.s32 $execute0_lowered;
	[smem:$0x3FD2] =	sst s25  }
0xa6: {  	s4 =	sshll.u32 s26, $0x1;
	_ =	strace $0x80000049;
	[dreg:$0x1] =	wrdreg $0xFFFFFFFF  }
0xa7: {  	s28 =	simm.s32 $_size_execute0_lowered;
	s2 =	sadd.s32 s2, s4;
	[dreg:$0x0] =	wrdreg $0x0  }
0xa8: {  	s4 =	sshll.u32 s28, $0x1;
	[dreg:$0x2] =	wrdreg s2  }
0xa9: {  	[dreg:$0x3] =	wrdreg s4  }
0xaa: {  	[dreg:$0x4] =	wrdreg $0xC0  }
0xab: {  	_ =	task [dreg:s6], $0x5FFFF  }
0xac: {  	[dreg:$0x1] =	wrdreg $0xFFFFFFFF  }
0xad: {  	[dreg:$0x0] =	wrdreg $0x60  }
0xae: {  	[dreg:$0x2] =	wrdreg s24  }
0xaf: {  	[dreg:$0x3] =	wrdreg $0x9  }
0xb0: {  	_ =	task.clear_ibuf [dreg:s6], $0x4FFFF;
	_ =	strace $0x90000049  }
0xb1: {  	s29 =	simm.s32 $0x9;
	_ =	strace $0x8000004B  }
0xb2: {  	_ =	swait.ge [sflag:s29], $0x1  }
0xb3: {  	[sflag:s29] =	ssyncadd.s32 $0xFFFFFFFF  }
0xb4: {  	_ =	strace $0x9000004B  }
0xb5: {  	_ =	sfence  }
0xb6: {  	s30 =	sld [smem:$0x0];
	_ =	sdelay $0x2  }
0xb7: {  	s31 =	sshll.u32 s1, $0xD;
	s1 =	sshrl.u32 s1, $0x2  }
0xb8: {  	s3 =	sand.u32 $0x4000, s31;
	s1 =	sadd.s32 s1, s30  }
0xb9: {  	s0 =	sor.u32 s3, s0;
	s1 =	sshll.u32 s1, $0x11  }
0xba: {  	s0 =	sor.u32 s1, s0  }
0xbb: {  	s0 =	sadd.s32 $0x8F2B, s0  }
0xbc: {  	[sflag:s0] =	ssyncadd.remote.s32 $0x1  }
0xbd: {  	_ =	sfence.sel $0xFFFF  }
0xbe: {  	[dreg:$0x0] =	wrdreg $0xFFFFFFFF;
	(pc) =	sbr.abs _section_cstart, $3  }
0xbf: {  	[dreg:$0x1] =	wrdreg $0xFFFFFFFF  }
0xc0: {  	_ =	task.clear_ibuf [dreg:s6], $0x2FFFF;
	_ =	strace $0x9FFFFFFF  }
0xc1: {  	(tm) =	ssettm $0x7FFFFFFF  }
tec
execute0_lowered:
.L_overlay_start_1:
0x0: {  	(tag) =	ssettag $0x1  }
0x1: {  	s0 =	srdreg.scid  }
0x2: {  	s10 =	stileid.u32;
	s4 =	rddreg [dreg:$0x0]  }
0x3: {  	s2 =	simm.s32 $0x0;
	s11 =	simm.s32 $0x1390;
	s12 =	simm.s32 $0x1D90  }
0x4: {  	s14 =	simm.s32 $0x2790;
	s15 =	simm.s32 $0x78;
	s16 =	simm.s32 $0x3190  }
0x5: {  	s17 =	simm.s32 $0xA0;
	s31 =	simm.s32 $0x4F90;
	s18 =	simm.s32 $0x3B90  }
0x6: {  	s19 =	simm.s32 $0x4590;
	s20 =	simm.s32 $0x5990;
	s21 =	simm.s32 $0x6390  }
0x7: {  	s22 =	simm.s32 $0x6D90;
	s23 =	simm.s32 $0x1;
	s7 =	smul.u32 $0x2710, s10  }
0x8: {  	s0 =	sand.u32 $0x1, s0;
	s1 =	sshll.u32 s10, $0x1;
	s10 =	smul.u32 $0x13880, s10  }
0x9: {  	s24 =	simm.s32 $0x2;
	s25 =	simm.s32 $0x0;
	s9 =	smul.u32 $0x1388, s0  }
0xa: {  	s1 =	sor.u32 s0, s1;
	s6 =	ssub.s32 $0x2, s0;
	s0 =	smul.u32 $0x9C40, s0  }
0xb: {  	[smem:$0x7FF] =	sst s2;
	s8 =	sadd.s32 $0xA3600, s4;
	s3 =	smul.u32 $0x1388, s1  }
0xc: {  	_ =	strace $0x8000004A;
	[dreg:$0x2] =	wrdreg s31;
	s1 =	smul.u32 $0x4E200, s1  }
0xd: {  	s28 =	sshrl.u32 s6, $0x1;
	s30 =	sadd.s32 s10, s8;
	s10 =	simm.s32 $0x28  }
0xe: {  	s6 =	ssub.s32 s6, s28;
	s7 =	sadd.s32 s9, s7;
	s9 =	simm.s32 $0x3  }
0xf: {  	s3 =	sshrl.u32 s3, $0x3;
	s1 =	sshrl.u32 s1, $0x3;
	s29 =	sshll.u32 s7, $0x3  }
0x10: {  	s5 =	sadd.s32 s3, s4;
	s3 =	sadd.s32 $0xEE00, s4;
	s1 =	sadd.s32 s8, s1  }
0x11: {  	s4 =	sadd.s32 $0x9E00, s5;
	s5 =	sadd.s32 $0x9600, s1;
	s1 =	sadd.s32 s8, s29  }
0x12: {  	s6 =	smax.u32 s6, $0x1;
	s7 =	sadd.s32 s0, s30;
	s8 =	sadd.s32 $0x640, s1  }
.LBB2_1:
0x13: {  	[tilespmem:s2], [sflag:$0x3] =	stream.linear.gather [hbm4b:s4+s2], $0x1388, $0x38;
	[tilespmem:$0x7790] =	vst v63  }
0x14: {  	_ =	swait.ge [sflag:s9], $0x1388  }
0x15: {  	[sflag:s9] =	ssyncset.done $0x0  }
0x16: {  	[sflag:s9] =	ssyncadd.s32 $0xFFFFEC78  }
0x17: {  	[tilespmem:s11], [sflag:$0x1] =	stream.indirect.gather [hbm4b:s3+s10], $0x40, s2, s10, $0xb8;
	[tilespmem:$0x7790] =	vst v63  }
0x18: {  	_ = 	snop  }
0x19: {  	[tilespmem:s12], [sflag:$0x1] =	stream.indirect.gather [hbm4b:s3+s10], $0x40, s10, s10, $0xb8;
	[tilespmem:$0x7790] =	vst v63  }
0x1a: {  	s0 =	simm.s32 $0x50  }
0x1b: {  	[tilespmem:s14], [sflag:$0x1] =	stream.indirect.gather [hbm4b:s3+s10], $0x40, s0, s10, $0xb8;
	[tilespmem:$0x7790] =	vst v63  }
0x1c: {  	_ = 	snop  }
0x1d: {  	[tilespmem:s16], [sflag:$0x1] =	stream.indirect.gather [hbm4b:s3+s10], $0x40, s15, s10, $0xb8;
	[tilespmem:$0x7790] =	vst v63  }
0x1e: {  	_ = 	snop  }
0x1f: {  	[tilespmem:s18], [sflag:$0x1] =	stream.indirect.gather [hbm4b:s3+s10], $0x40, s17, s10, $0xb8;
	[tilespmem:$0x7790] =	vst v63  }
0x20: {  	s1 =	simm.s32 $0xC8  }
0x21: {  	[tilespmem:s19], [sflag:$0x2] =	stream.indirect.gather [hbm4b:s3+s10], $0x40, s1, s10, $0xb8;
	[tilespmem:$0x7790] =	vst v63  }
0x22: {  	s31 =	simm.s32 $0xF0;
	s26 =	rddreg [dreg:$0x2]  }
0x23: {  	[tilespmem:s26], [sflag:$0x2] =	stream.indirect.gather [hbm4b:s3+s10], $0x40, s31, s10, $0xb8;
	[tilespmem:$0x7790] =	vst v63  }
0x24: {  	s1 =	simm.s32 $0x118  }
0x25: {  	[tilespmem:s20], [sflag:$0x2] =	stream.indirect.gather [hbm4b:s3+s10], $0x40, s1, s10, $0xb8;
	[tilespmem:$0x7790] =	vst v63  }
0x26: {  	s13 =	simm.s32 $0x140  }
0x27: {  	[tilespmem:s21], [sflag:$0x2] =	stream.indirect.gather [hbm4b:s3+s10], $0x40, s13, s10, $0xb8;
	[tilespmem:$0x7790] =	vst v63  }
0x28: {  	s26 =	simm.s32 $0x168  }
0x29: {  	[tilespmem:s22], [sflag:$0x2] =	stream.indirect.gather [hbm4b:s3+s10], $0x40, s26, s10, $0xb8;
	[tilespmem:$0x7790] =	vst v63  }
0x2a: {  	_ =	swait.ge [sflag:s23], $0xA00  }
0x2b: {  	[sflag:s23] =	ssyncset.done $0x0  }
0x2c: {  	[sflag:s23] =	ssyncadd.s32 $0xFFFFF600  }
0x2d: {  	_ =	swait.ge [sflag:s23], $0xA00  }
0x2e: {  	[sflag:s23] =	ssyncset.done $0x0  }
0x2f: {  	[sflag:s23] =	ssyncadd.s32 $0xFFFFF600  }
0x30: {  	_ =	swait.ge [sflag:s23], $0xA00  }
0x31: {  	[sflag:s23] =	ssyncset.done $0x0  }
0x32: {  	[sflag:s23] =	ssyncadd.s32 $0xFFFFF600  }
0x33: {  	_ =	swait.ge [sflag:s23], $0xA00  }
0x34: {  	[sflag:s23] =	ssyncset.done $0x0  }
0x35: {  	[sflag:s23] =	ssyncadd.s32 $0xFFFFF600  }
0x36: {  	_ =	swait.ge [sflag:s23], $0xA00  }
0x37: {  	[sflag:s23] =	ssyncset.done $0x0  }
0x38: {  	[sflag:s23] =	ssyncadd.s32 $0xFFFFF600  }
0x39: {  	[hbm4b:s7+s2] =	stream.linear.scatter [tilespmem:s11], [sflag:$0x3], $0x3200, $0x38;
	[tilespmem:$0x7790] =	vst v63  }
0x3a: {  	_ =	swait.ge [sflag:s9], $0x3200  }
0x3b: {  	[sflag:s9] =	ssyncset.done $0x0  }
0x3c: {  	s31 =	simm.s32 $0x190;
	[sflag:s9] =	ssyncadd.s32 $0xFFFFCE00  }
0x3d: {  	[tilespmem:s11], [sflag:$0x1] =	stream.indirect.gather [hbm4b:s3+s10], $0x40, s31, s10, $0xb8;
	[tilespmem:$0x7790] =	vst v63  }
0x3e: {  	s1 =	simm.s32 $0x1B8  }
0x3f: {  	[tilespmem:s12], [sflag:$0x1] =	stream.indirect.gather [hbm4b:s3+s10], $0x40, s1, s10, $0xb8;
	[tilespmem:$0x7790] =	vst v63  }
0x40: {  	s13 =	simm.s32 $0x1E0  }
0x41: {  	[tilespmem:s14], [sflag:$0x1] =	stream.indirect.gather [hbm4b:s3+s10], $0x40, s13, s10, $0xb8;
	[tilespmem:$0x7790] =	vst v63  }
0x42: {  	s26 =	simm.s32 $0x208  }
0x43: {  	[tilespmem:s16], [sflag:$0x1] =	stream.indirect.gather [hbm4b:s3+s10], $0x40, s26, s10, $0xb8;
	[tilespmem:$0x7790] =	vst v63  }
0x44: {  	s31 =	simm.s32 $0x230  }
0x45: {  	[tilespmem:s18], [sflag:$0x1] =	stream.indirect.gather [hbm4b:s3+s10], $0x40, s31, s10, $0xb8;
	[tilespmem:$0x7790] =	vst v63  }
0x46: {  	_ =	swait.ge [sflag:s24], $0xA00  }
0x47: {  	[sflag:s24] =	ssyncset.done $0x0  }
0x48: {  	[sflag:s24] =	ssyncadd.s32 $0xFFFFF600  }
0x49: {  	_ =	swait.ge [sflag:s24], $0xA00  }
0x4a: {  	[sflag:s24] =	ssyncset.done $0x0  }
0x4b: {  	[sflag:s24] =	ssyncadd.s32 $0xFFFFF600  }
0x4c: {  	_ =	swait.ge [sflag:s24], $0xA00  }
0x4d: {  	[sflag:s24] =	ssyncset.done $0x0  }
0x4e: {  	[sflag:s24] =	ssyncadd.s32 $0xFFFFF600  }
0x4f: {  	_ =	swait.ge [sflag:s24], $0xA00  }
0x50: {  	[sflag:s24] =	ssyncset.done $0x0  }
0x51: {  	[sflag:s24] =	ssyncadd.s32 $0xFFFFF600  }
0x52: {  	_ =	swait.ge [sflag:s24], $0xA00  }
0x53: {  	[sflag:s24] =	ssyncset.done $0x0  }
0x54: {  	s30 =	simm.s32 $0xC80;
	[sflag:s24] =	ssyncadd.s32 $0xFFFFF600  }
0x55: {  	[hbm4b:s8+s2] =	stream.linear.scatter [tilespmem:s19], [sflag:$0x3], $0x3200, $0x38;
	[tilespmem:$0x7790] =	vst v63  }
0x56: {  	s28 =	sadd.s32 $0xC80, s7;
	s29 =	simm.s32 $0x190;
	_ =	swait.ge [sflag:s9], $0x3200  }
0x57: {  	s26 =	sadd.s32 $0xC80, s8;
	s1 =	rddreg [dreg:$0x2];
	[sflag:s9] =	ssyncset.done $0x0  }
.LBB2_2:
0x58: {  	s13 =	sadd.s32 $0xC8, s29;
	[sflag:s9] =	ssyncadd.s32 $0xFFFFCE00  }
0x59: {  	[tilespmem:s19], [sflag:$0x2] =	stream.indirect.gather [hbm4b:s3+s10], $0x40, s13, s10, $0xb8;
	[tilespmem:$0x7790] =	vst v63  }
0x5a: {  	s13 =	sadd.s32 $0xF0, s29  }
0x5b: {  	[tilespmem:s1], [sflag:$0x2] =	stream.indirect.gather [hbm4b:s3+s10], $0x40, s13, s10, $0xb8;
	[tilespmem:$0x7790] =	vst v63  }
0x5c: {  	s13 =	sadd.s32 $0x118, s29  }
0x5d: {  	[tilespmem:s20], [sflag:$0x2] =	stream.indirect.gather [hbm4b:s3+s10], $0x40, s13, s10, $0xb8;
	[tilespmem:$0x7790] =	vst v63  }
0x5e: {  	s13 =	sadd.s32 $0x140, s29  }
0x5f: {  	[tilespmem:s21], [sflag:$0x2] =	stream.indirect.gather [hbm4b:s3+s10], $0x40, s13, s10, $0xb8;
	[tilespmem:$0x7790] =	vst v63  }
0x60: {  	s13 =	sadd.s32 $0x168, s29  }
0x61: {  	[tilespmem:s22], [sflag:$0x2] =	stream.indirect.gather [hbm4b:s3+s10], $0x40, s13, s10, $0xb8;
	[tilespmem:$0x7790] =	vst v63  }
0x62: {  	_ =	swait.ge [sflag:s23], $0xA00  }
0x63: {  	[sflag:s23] =	ssyncset.done $0x0  }
0x64: {  	[sflag:s23] =	ssyncadd.s32 $0xFFFFF600  }
0x65: {  	_ =	swait.ge [sflag:s23], $0xA00  }
0x66: {  	[sflag:s23] =	ssyncset.done $0x0  }
0x67: {  	[sflag:s23] =	ssyncadd.s32 $0xFFFFF600  }
0x68: {  	_ =	swait.ge [sflag:s23], $0xA00  }
0x69: {  	[sflag:s23] =	ssyncset.done $0x0  }
0x6a: {  	[sflag:s23] =	ssyncadd.s32 $0xFFFFF600  }
0x6b: {  	_ =	swait.ge [sflag:s23], $0xA00  }
0x6c: {  	[sflag:s23] =	ssyncset.done $0x0  }
0x6d: {  	[sflag:s23] =	ssyncadd.s32 $0xFFFFF600  }
0x6e: {  	_ =	swait.ge [sflag:s23], $0xA00  }
0x6f: {  	[sflag:s23] =	ssyncset.done $0x0  }
0x70: {  	[sflag:s23] =	ssyncadd.s32 $0xFFFFF600  }
0x71: {  	[hbm4b:s28+s2] =	stream.linear.scatter [tilespmem:s11], [sflag:$0x3], $0x3200, $0x38;
	[tilespmem:$0x7790] =	vst v63  }
0x72: {  	_ =	swait.ge [sflag:s9], $0x3200  }
0x73: {  	[sflag:s9] =	ssyncset.done $0x0  }
0x74: {  	s13 =	sadd.s32 $0x190, s29;
	[sflag:s9] =	ssyncadd.s32 $0xFFFFCE00  }
0x75: {  	[tilespmem:s11], [sflag:$0x1] =	stream.indirect.gather [hbm4b:s3+s10], $0x40, s13, s10, $0xb8;
	[tilespmem:$0x7790] =	vst v63  }
0x76: {  	s13 =	sadd.s32 $0x1B8, s29  }
0x77: {  	[tilespmem:s12], [sflag:$0x1] =	stream.indirect.gather [hbm4b:s3+s10], $0x40, s13, s10, $0xb8;
	[tilespmem:$0x7790] =	vst v63  }
0x78: {  	s13 =	sadd.s32 $0x1E0, s29  }
0x79: {  	[tilespmem:s14], [sflag:$0x1] =	stream.indirect.gather [hbm4b:s3+s10], $0x40, s13, s10, $0xb8;
	[tilespmem:$0x7790] =	vst v63  }
0x7a: {  	s13 =	sadd.s32 $0x208, s29  }
0x7b: {  	[tilespmem:s16], [sflag:$0x1] =	stream.indirect.gather [hbm4b:s3+s10], $0x40, s13, s10, $0xb8;
	[tilespmem:$0x7790] =	vst v63  }
0x7c: {  	s13 =	sadd.s32 $0x230, s29  }
0x7d: {  	[tilespmem:s18], [sflag:$0x1] =	stream.indirect.gather [hbm4b:s3+s10], $0x40, s13, s10, $0xb8;
	[tilespmem:$0x7790] =	vst v63  }
0x7e: {  	_ =	swait.ge [sflag:s24], $0xA00  }
0x7f: {  	[sflag:s24] =	ssyncset.done $0x0  }
0x80: {  	[sflag:s24] =	ssyncadd.s32 $0xFFFFF600  }
0x81: {  	_ =	swait.ge [sflag:s24], $0xA00  }
0x82: {  	[sflag:s24] =	ssyncset.done $0x0  }
0x83: {  	[sflag:s24] =	ssyncadd.s32 $0xFFFFF600  }
0x84: {  	_ =	swait.ge [sflag:s24], $0xA00  }
0x85: {  	[sflag:s24] =	ssyncset.done $0x0  }
0x86: {  	[sflag:s24] =	ssyncadd.s32 $0xFFFFF600  }
0x87: {  	_ =	swait.ge [sflag:s24], $0xA00  }
0x88: {  	[sflag:s24] =	ssyncset.done $0x0  }
0x89: {  	[sflag:s24] =	ssyncadd.s32 $0xFFFFF600  }
0x8a: {  	p0 =	sne.s32 s30, $0x44C0;
	_ =	swait.ge [sflag:s24], $0xA00  }
.Ltmp0:
0x8b: {  	s0 =	sadd.s32 $0x640, s30;
	[sflag:s24] =	ssyncset.done $0x0;
	(pc) =	sbr.rel @p0 .LBB2_2-.Ltmp0, $4  }
0x8c: {  	s31 =	smov.u32 s30;
	s30 =	smov.u32 s0;
	[sflag:s24] =	ssyncadd.s32 $0xFFFFF600  }
0x8d: {  	[hbm4b:s26+s2] =	stream.linear.scatter [tilespmem:s19], [sflag:$0x3], $0x3200, $0x38;
	[tilespmem:$0x7790] =	vst v63  }
0x8e: {  	s28 =	sadd.s32 $0xC80, s28;
	s29 =	sshra.s32 s31, $0x2;
	_ =	swait.ge [sflag:s9], $0x3200  }
0x8f: {  	s26 =	sadd.s32 $0xC80, s26;
	s1 =	rddreg [dreg:$0x2];
	[sflag:s9] =	ssyncset.done $0x0  }
0x90: {  	s0 =	sadd.s32 $0xC8, s29;
	[sflag:s9] =	ssyncadd.s32 $0xFFFFCE00  }
0x91: {  	[tilespmem:s19], [sflag:$0x2] =	stream.indirect.gather [hbm4b:s3+s10], $0x40, s0, s10, $0xb8;
	[tilespmem:$0x7790] =	vst v63  }
0x92: {  	s31 =	sadd.s32 $0xF0, s29  }
0x93: {  	[tilespmem:s1], [sflag:$0x2] =	stream.indirect.gather [hbm4b:s3+s10], $0x40, s31, s10, $0xb8;
	[tilespmem:$0x7790] =	vst v63  }
0x94: {  	s13 =	sadd.s32 $0x118, s29  }
0x95: {  	[tilespmem:s20], [sflag:$0x2] =	stream.indirect.gather [hbm4b:s3+s10], $0x40, s13, s10, $0xb8;
	[tilespmem:$0x7790] =	vst v63  }
0x96: {  	s30 =	sadd.s32 $0x140, s29  }
0x97: {  	[tilespmem:s21], [sflag:$0x2] =	stream.indirect.gather [hbm4b:s3+s10], $0x40, s30, s10, $0xb8;
	[tilespmem:$0x7790] =	vst v63  }
0x98: {  	s31 =	sadd.s32 $0x168, s29  }
0x99: {  	[tilespmem:s22], [sflag:$0x2] =	stream.indirect.gather [hbm4b:s3+s10], $0x40, s31, s10, $0xb8;
	[tilespmem:$0x7790] =	vst v63  }
0x9a: {  	_ =	swait.ge [sflag:s23], $0xA00  }
0x9b: {  	[sflag:s23] =	ssyncset.done $0x0  }
0x9c: {  	[sflag:s23] =	ssyncadd.s32 $0xFFFFF600  }
0x9d: {  	_ =	swait.ge [sflag:s23], $0xA00  }
0x9e: {  	[sflag:s23] =	ssyncset.done $0x0  }
0x9f: {  	[sflag:s23] =	ssyncadd.s32 $0xFFFFF600  }
0xa0: {  	_ =	swait.ge [sflag:s23], $0xA00  }
0xa1: {  	[sflag:s23] =	ssyncset.done $0x0  }
0xa2: {  	[sflag:s23] =	ssyncadd.s32 $0xFFFFF600  }
0xa3: {  	_ =	swait.ge [sflag:s23], $0xA00  }
0xa4: {  	[sflag:s23] =	ssyncset.done $0x0  }
0xa5: {  	[sflag:s23] =	ssyncadd.s32 $0xFFFFF600  }
0xa6: {  	_ =	swait.ge [sflag:s23], $0xA00  }
0xa7: {  	[sflag:s23] =	ssyncset.done $0x0  }
0xa8: {  	[sflag:s23] =	ssyncadd.s32 $0xFFFFF600  }
0xa9: {  	[hbm4b:s28+s2] =	stream.linear.scatter [tilespmem:s11], [sflag:$0x3], $0x3200, $0x38;
	[tilespmem:$0x7790] =	vst v63  }
0xaa: {  	_ =	swait.ge [sflag:s9], $0x3200  }
0xab: {  	[sflag:s9] =	ssyncset.done $0x0  }
0xac: {  	s1 =	sadd.s32 $0x190, s29;
	[sflag:s9] =	ssyncadd.s32 $0xFFFFCE00  }
0xad: {  	[tilespmem:s11], [sflag:$0x1] =	stream.indirect.gather [hbm4b:s3+s10], $0x40, s1, s10, $0xb8;
	[tilespmem:$0x7790] =	vst v63  }
0xae: {  	s13 =	sadd.s32 $0x1B8, s29  }
0xaf: {  	[tilespmem:s12], [sflag:$0x1] =	stream.indirect.gather [hbm4b:s3+s10], $0x40, s13, s10, $0xb8;
	[tilespmem:$0x7790] =	vst v63  }
0xb0: {  	s28 =	sadd.s32 $0x1E0, s29  }
0xb1: {  	[tilespmem:s14], [sflag:$0x1] =	stream.indirect.gather [hbm4b:s3+s10], $0x40, s28, s10, $0xb8;
	[tilespmem:$0x7790] =	vst v63  }
0xb2: {  	s30 =	sadd.s32 $0x208, s29  }
0xb3: {  	[tilespmem:s16], [sflag:$0x1] =	stream.indirect.gather [hbm4b:s3+s10], $0x40, s30, s10, $0xb8;
	[tilespmem:$0x7790] =	vst v63  }
0xb4: {  	s31 =	sadd.s32 $0x230, s29  }
0xb5: {  	[tilespmem:s18], [sflag:$0x1] =	stream.indirect.gather [hbm4b:s3+s10], $0x40, s31, s10, $0xb8;
	[tilespmem:$0x7790] =	vst v63  }
0xb6: {  	_ =	swait.ge [sflag:s24], $0xA00  }
0xb7: {  	[sflag:s24] =	ssyncset.done $0x0  }
0xb8: {  	[sflag:s24] =	ssyncadd.s32 $0xFFFFF600  }
0xb9: {  	_ =	swait.ge [sflag:s24], $0xA00  }
0xba: {  	[sflag:s24] =	ssyncset.done $0x0  }
0xbb: {  	[sflag:s24] =	ssyncadd.s32 $0xFFFFF600  }
0xbc: {  	_ =	swait.ge [sflag:s24], $0xA00  }
0xbd: {  	[sflag:s24] =	ssyncset.done $0x0  }
0xbe: {  	[sflag:s24] =	ssyncadd.s32 $0xFFFFF600  }
0xbf: {  	_ =	swait.ge [sflag:s24], $0xA00  }
0xc0: {  	[sflag:s24] =	ssyncset.done $0x0  }
0xc1: {  	[sflag:s24] =	ssyncadd.s32 $0xFFFFF600  }
0xc2: {  	_ =	swait.ge [sflag:s24], $0xA00  }
0xc3: {  	[sflag:s24] =	ssyncset.done $0x0  }
0xc4: {  	[sflag:s24] =	ssyncadd.s32 $0xFFFFF600  }
0xc5: {  	[hbm4b:s26+s2] =	stream.linear.scatter [tilespmem:s19], [sflag:$0x3], $0x3200, $0x38;
	[tilespmem:$0x7790] =	vst v63  }
0xc6: {  	_ =	swait.ge [sflag:s9], $0x3200  }
0xc7: {  	[sflag:s9] =	ssyncset.done $0x0  }
0xc8: {  	[sflag:s9] =	ssyncadd.s32 $0xFFFFCE00  }
0xc9: {  	_ =	swait.ge [sflag:s23], $0xA00  }
0xca: {  	[sflag:s23] =	ssyncset.done $0x0  }
0xcb: {  	[sflag:s23] =	ssyncadd.s32 $0xFFFFF600  }
0xcc: {  	_ =	swait.ge [sflag:s23], $0xA00  }
0xcd: {  	[sflag:s23] =	ssyncset.done $0x0  }
0xce: {  	[sflag:s23] =	ssyncadd.s32 $0xFFFFF600  }
0xcf: {  	_ =	swait.ge [sflag:s23], $0xA00  }
0xd0: {  	[sflag:s23] =	ssyncset.done $0x0  }
0xd1: {  	[sflag:s23] =	ssyncadd.s32 $0xFFFFF600  }
0xd2: {  	_ =	swait.ge [sflag:s23], $0xA00  }
0xd3: {  	[sflag:s23] =	ssyncset.done $0x0  }
0xd4: {  	[sflag:s23] =	ssyncadd.s32 $0xFFFFF600  }
0xd5: {  	s25 =	sadd.s32 $0x1, s25;
	_ =	swait.ge [sflag:s23], $0xA00  }
0xd6: {  	p0 =	sne.s32 s25, s6;
	[sflag:s23] =	ssyncset.done $0x0  }
.Ltmp1:
0xd7: {  	[sflag:s23] =	ssyncadd.s32 $0xFFFFF600;
	(pc) =	sbr.rel @p0 .LBB2_1-.Ltmp1, $4  }
0xd8: {  	[hbm4b:s5+s2] =	stream.linear.scatter [tilespmem:s11], [sflag:$0x3], $0x3200, $0x38;
	[tilespmem:$0x7790] =	vst v63  }
0xd9: {  	_ =	swait.ge [sflag:s9], $0x3200  }
0xda: {  	[sflag:s9] =	ssyncset.done $0x0  }
0xdb: {  	[sflag:s9] =	ssyncadd.s32 $0xFFFFCE00  }
0xdc: {  	_ =	sfence.sel $0x180000  }
0xdd: {  	[bflag:$0x0] =	sbarrier.arrive $0xFFFF  }
0xde: {  	_ =	strace $0x9000004A  }
0xdf: {  	s0 =	stileid.u32;
	[bflag:$0x2] =	sbarrier.arrive $0xFFFF  }
0xe0: {  	p0 =	sne.s32 s0, $0x0;
	s0 =	rddreg [dreg:$0x1]  }
0xe1: {  	s0 =	sadd.s32 @!p0 $0x100000, s0  }
0xe2: {  	[sflag:s0] =	ssyncadd.tile.s32 @!p0 $0x1;
	_ =	shalt  }
.Lfunc_end2:
_tile_overlayer_lowered:
.L_overlay_start_2:
0xe3: {  	(tag) =	ssettag $0x2  }
0xe4: {  	s0 =	rddreg [dreg:$0x0];
	s2 =	stileid.u32  }
0xe5: {  	s1 =	rddreg [dreg:$0x1];
	p0 =	sne.s32 s2, $0x0  }
0xe6: {  	s3 =	rddreg [dreg:$0x2];
	[bflag:$0x3] =	sbarrier.arrive $0xFFFF;
	s2 =	simm.s32 @!p0 $0x1C03  }
0xe7: {  	[timem:s3], [sflag:s2] =	dma.local @!p0 [hbm:s0], s1  }
0xe8: {  	s0 =	simm.s32 @!p0 $0x3  }
0xe9: {  	_ =	swait.ge @!p0 [sflag:s0], s1  }
0xea: {  	s1 =	ssub.s32 @!p0 $0x0, s1;
	[sflag:s0] =	ssyncset.done @!p0 $0x0  }
0xeb: {  	[sflag:s0] =	ssyncadd.s32 @!p0 s1  }
0xec: {  	[bflag:$0x3] =	sbarrier.arrive $0xFFFF  }
0xed: {  	_ =	shalt  }

// kernel: kernel.7.cloned.1.call-start
scs
__scs_entry_jumppad:
0x0: {  	(pc) =	sbr.rel $0x88, $3  }
0x1: {  	(tag) =	ssettag $0x0;
	lr =	simm.s32 $0x1  }
0x2: {  	[smem:$0x3F9E] =	sst lr;
	_ =	strace $0xD0000000  }
0x3: {  	_ = 	snop  }
0x4: {  	_ = 	snop  }
0x5: {  	_ = 	snop  }
0x6: {  	_ = 	snop  }
0x7: {  	_ = 	snop  }
__scs_overlays_trampoline_lowered:
0x8: {  	[smem:$0x3FAD] =	sst s0  }
0x9: {  	[smem:$0x3FAE] =	sst s1  }
0xa: {  	[smem:$0x3FAF] =	sst s2  }
0xb: {  	[smem:$0x3FB0] =	sst s3  }
0xc: {  	[smem:$0x3FB1] =	sst s4  }
0xd: {  	[smem:$0x3FB2] =	sst s5  }
0xe: {  	[smem:$0x3FB3] =	sst s6  }
0xf: {  	[smem:$0x3FB4] =	sst s7  }
0x10: {  	[smem:$0x3FB5] =	sst s8  }
0x11: {  	[smem:$0x3FB6] =	sst s9;
	s0 =	simm.s32 @!p0 $0x0  }
0x12: {  	s1 =	sld [smem:$0x3F9C];
	s0 =	simm.s32 @p0 $0x1  }
0x13: {  	[smem:$0x3FB7] =	sst s0;
	s0 =	simm.s32 @!p1 $0x0  }
0x14: {  	s2 =	sld [smem:$0x3F9B];
	s0 =	simm.s32 @p1 $0x1  }
0x15: {  	[smem:$0x3FB8] =	sst s0;
	s0 =	simm.s32 @!p2 $0x0  }
0x16: {  	s3 =	sld [smem:$0x3FDB];
	s0 =	simm.s32 @p2 $0x1  }
0x17: {  	s4 =	simm.s32 $0x1BF5;
	[smem:$0x3FBA] =	sst s0  }
0x18: {  	s0 =	sld [smem:$0x3F9D];
	_ =	swait.ge [sflag:s4], $0x0  }
0x19: {  	s7 =	sld [smem:$0x3F9E]  }
0x1a: {  	s8 =	sadd.s32 $0xFFFFE003, lr  }
0x1b: {  	s9 =	sadd.s32 $0xFFFFFEF7, lr;
	s5 =	simm.s32 $0xFFFFFFFF;
	p2 =	slt.u32 s8, $0xFFFFF086  }
0x1c: {  	p1 =	slt.u32 s9, $0xF7A;
	s5 =	simm.s32 @!p2 $0x0  }
0x1d: {  	s5 =	simm.s32 @p1 $0x1;
	p0 =	seq.s32 s7, s2  }
0x1e: {  	s7 =	smul.u32 @!p0 $0xF7A, s2;
	p2 =	seq.s32 @!p0 s5, $0x0  }
0x1f: {  	s9 =	smul.u32 $0xF7A, s1;
	s8 =	simm.s32 @!p0 $0x1BF5;
	p2 =	por !p2, p0  }
0x20: {  	[sflag:s8] =	ssyncset.s32 @!p0 $0xFFFFF086;
	s6 =	sadd.s32 @!p0 s3, s7;
	s7 =	simm.s32 @!p0 $0x108  }
0x21: {  	s3 =	sadd.s32 s3, s9;
	s6 =	sadd.s32 @!p0 $0x88, s6;
	s7 =	simm.s32 @p2 $0x1082  }
0x22: {  	[simem:s7], [sflag:s8] =	dma.local @!p0 [hbm:s6], $0xF7A  }
0x23: {  	s9 =	sor.u32 $0xD0000000, s2;
	s6 =	simm.s32 $0x108;
	_ =	swait.ge @!p0 [sflag:s8], $0x0  }
0x24: {  	s3 =	sadd.s32 $0x88, s3;
	s6 =	simm.s32 @!p1 $0x1082;
	[sflag:s4] =	ssyncset.s32 $0xFFFFF086  }
0x25: {  	[simem:s6], [sflag:s4] =	dma.local [hbm:s3], $0xF7A  }
0x26: {  	[smem:$0x3F9E] =	sst s1;
	(tag) =	ssettag s2;
	_ =	strace s9  }
0x27: {  	s1 =	sld [smem:$0x3FAE]  }
0x28: {  	s2 =	sld [smem:$0x3FAF]  }
0x29: {  	s4 =	sld [smem:$0x3FB1]  }
0x2a: {  	p0 =	seq.s32 s5, $0x0;
	s5 =	sld [smem:$0x3FB2]  }
0x2b: {  	s6 =	sld [smem:$0x3FB3]  }
0x2c: {  	s7 =	sld [smem:$0x3FB4]  }
0x2d: {  	s3 =	simm.s32 $0x108;
	s8 =	sld [smem:$0x3FB5]  }
0x2e: {  	s3 =	simm.s32 @!p0 $0x1082;
	s9 =	sld [smem:$0x3FB6]  }
0x2f: {  	lr =	sadd.s32 s0, s3;
	s0 =	sld [smem:$0x3FAD]  }
0x30: {  	s3 =	sld [smem:$0x3FB0]  }
0x31: {  	[smem:$0x3FB9] =	sst s10  }
0x32: {  	s10 =	sld [smem:$0x3FB7];
	_ =	sdelay $0x3  }
0x33: {  	p0 =	seq.s32 s10, $0x1;
	s10 =	sld [smem:$0x3FB9];
	_ =	sdelay $0x3  }
0x34: {  	[smem:$0x3FB9] =	sst s10  }
0x35: {  	s10 =	sld [smem:$0x3FB8];
	_ =	sdelay $0x3  }
0x36: {  	p1 =	seq.s32 s10, $0x1;
	s10 =	sld [smem:$0x3FB9];
	_ =	sdelay $0x3  }
0x37: {  	[smem:$0x3FB9] =	sst s10  }
0x38: {  	s10 =	sld [smem:$0x3FBA]  }
0x39: {  	_ = 	snop;
	(pc) =	sbr.ind lr, $3  }
0x3a: {  	_ = 	snop  }
0x3b: {  	_ = 	snop  }
0x3c: {  	p2 =	seq.s32 s10, $0x1;
	s10 =	sld [smem:$0x3FB9]  }
0x3d: {  	_ =	shalt  }
0x3e: {  	_ =	shalt  }
0x3f: {  	_ =	shalt  }
0x40: {  	_ =	shalt  }
0x41: {  	_ =	shalt  }
0x42: {  	_ =	shalt  }
0x43: {  	_ =	shalt  }
0x44: {  	_ =	shalt  }
0x45: {  	_ =	shalt  }
0x46: {  	_ =	shalt  }
0x47: {  	_ =	shalt  }
0x48: {  	_ =	shalt  }
0x49: {  	_ =	shalt  }
0x4a: {  	_ =	shalt  }
0x4b: {  	_ =	shalt  }
0x4c: {  	_ =	shalt  }
0x4d: {  	_ =	shalt  }
0x4e: {  	_ =	shalt  }
0x4f: {  	_ =	shalt  }
0x50: {  	_ =	shalt  }
0x51: {  	_ =	shalt  }
0x52: {  	_ =	shalt  }
0x53: {  	_ =	shalt  }
0x54: {  	_ =	shalt  }
0x55: {  	_ =	shalt  }
0x56: {  	_ =	shalt  }
0x57: {  	_ =	shalt  }
0x58: {  	_ =	shalt  }
0x59: {  	_ =	shalt  }
0x5a: {  	_ =	shalt  }
0x5b: {  	_ =	shalt  }
0x5c: {  	_ =	shalt  }
0x5d: {  	_ =	shalt  }
0x5e: {  	_ =	shalt  }
0x5f: {  	_ =	shalt  }
0x60: {  	_ =	shalt  }
0x61: {  	_ =	shalt  }
0x62: {  	_ =	shalt  }
0x63: {  	_ =	shalt  }
0x64: {  	_ =	shalt  }
0x65: {  	_ =	shalt  }
0x66: {  	_ =	shalt  }
0x67: {  	_ =	shalt  }
0x68: {  	_ =	shalt  }
0x69: {  	_ =	shalt  }
0x6a: {  	_ =	shalt  }
0x6b: {  	_ =	shalt  }
0x6c: {  	_ =	shalt  }
0x6d: {  	_ =	shalt  }
0x6e: {  	_ =	shalt  }
0x6f: {  	_ =	shalt  }
0x70: {  	_ =	shalt  }
0x71: {  	_ =	shalt  }
0x72: {  	_ =	shalt  }
0x73: {  	_ =	shalt  }
0x74: {  	_ =	shalt  }
0x75: {  	_ =	shalt  }
0x76: {  	_ =	shalt  }
0x77: {  	_ =	shalt  }
0x78: {  	_ =	shalt  }
0x79: {  	_ =	shalt  }
0x7a: {  	_ =	shalt  }
0x7b: {  	_ =	shalt  }
0x7c: {  	_ =	shalt  }
0x7d: {  	_ =	shalt  }
0x7e: {  	_ =	shalt  }
0x7f: {  	_ =	shalt  }
0x80: {  	_ =	shalt  }
0x81: {  	_ =	shalt  }
0x82: {  	_ =	shalt  }
0x83: {  	_ =	shalt  }
0x84: {  	_ =	shalt  }
0x85: {  	_ =	shalt  }
0x86: {  	_ =	shalt  }
0x87: {  	_ =	shalt  }
.Lfunc_end0:
.L_simem_size_0:
called_computation_lowered:
.L_overlay_start_0:
0x88: {  	s2 =	sld [smem:$0x3FD9]  }
0x89: {  	s3 =	sld [smem:$0x3FFE];
	_ =	sdelay $0x1  }
0x8a: {  	s1 =	srdreg.scid  }
0x8b: {  	s0 =	sand.u32 $0x1, s1  }
0x8c: {  	s16 =	sshll.u32 s0, $0xA;
	s2 =	sadd.s32 s3, s2  }
0x8d: {  	s2 =	sadd.s32 s2, s16  }
0x8e: {  	[smem:$0x3FC5] =	sst s2  }
0x8f: {  	_ = 	snop  }
0x90: {  	(tm) =	ssettm $0x1  }
0x91: {  	s17 =	sld [smem:$0x3FFB];
	_ =	sdelay $0x3  }
0x92: {  	_ =	strace s17  }
0x93: {  	s2 =	sld [smem:$0x3FFC];
	_ =	sdelay $0x3  }
0x94: {  	_ =	strace s2  }
0x95: {  	s2 =	sld [smem:$0x3FFD];
	_ =	sdelay $0x3  }
0x96: {  	_ =	strace s2  }
0x97: {  	_ =	strace $0x8FFFFFFF  }
0x98: {  	s18 =	sld [smem:$0x3FDB];
	_ =	sdelay $0x1  }
0x99: {  	s19 =	simm.s32 $_scs_section_size  }
0x9a: {  	s4 =	simm.s32 $_size__tile_overlayer_lowered;
	s5 =	simm.s32 $_tile_overlayer_lowered  }
0x9b: {  	s22 =	simm.s32 $0x1BFF;
	s21 =	sshll.u32 s5, $0x1;
	s2 =	sadd.s32 s19, s18  }
0x9c: {  	s6 =	simm.s32 $0x0;
	s20 =	sshll.u32 s4, $0x1;
	s4 =	sadd.s32 s21, s2  }
0x9d: {  	[timem:s6], [sflag:s22] =	dma.local [hbm:s4], s20  }
0x9e: {  	_ =	swait.ge [sflag:s22], s20  }
0x9f: {  	s3 =	ssub.s32 $0x0, s20;
	[sflag:s22] =	ssyncset.done $0x0  }
0xa0: {  	[sflag:s22] =	ssyncadd.s32 s3;
	_ =	sdelay $0x1  }
0xa1: {  	s23 =	simm.s32 $0x1B8B  }
0xa2: {  	_ =	swait.ge [sflag:s23], $0x1  }
0xa3: {  	[sflag:s23] =	ssyncset.done $0x0  }
0xa4: {  	s25 =	simm.s32 $0x1B8E;
	s24 =	sld [smem:$0x3FFE];
	[sflag:s23] =	ssyncadd.s32 $0xFFFFFFFF  }
0xa5: {  	s26 =	simm.s32 $execute0_lowered;
	[smem:$0x3FD2] =	sst s25  }
0xa6: {  	s4 =	sshll.u32 s26, $0x1;
	_ =	strace $0x80000046;
	[dreg:$0x1] =	wrdreg $0xFFFFFFFF  }
0xa7: {  	s28 =	simm.s32 $_size_execute0_lowered;
	s2 =	sadd.s32 s2, s4;
	[dreg:$0x0] =	wrdreg $0x0  }
0xa8: {  	s4 =	sshll.u32 s28, $0x1;
	[dreg:$0x2] =	wrdreg s2  }
0xa9: {  	[dreg:$0x3] =	wrdreg s4  }
0xaa: {  	[dreg:$0x4] =	wrdreg $0xC0  }
0xab: {  	_ =	task [dreg:s6], $0x5FFFF  }
0xac: {  	[dreg:$0x1] =	wrdreg $0xFFFFFFFF  }
0xad: {  	[dreg:$0x0] =	wrdreg $0x60  }
0xae: {  	[dreg:$0x2] =	wrdreg s24  }
0xaf: {  	[dreg:$0x3] =	wrdreg $0x32D00  }
0xb0: {  	[dreg:$0x4] =	wrdreg $0x57700  }
0xb1: {  	[dreg:$0x5] =	wrdreg $0x9  }
0xb2: {  	_ =	task.clear_ibuf [dreg:s6], $0x6FFFF;
	_ =	strace $0x90000046  }
0xb3: {  	s29 =	simm.s32 $0x9;
	_ =	strace $0x80000048  }
0xb4: {  	_ =	swait.ge [sflag:s29], $0x1  }
0xb5: {  	[sflag:s29] =	ssyncadd.s32 $0xFFFFFFFF  }
0xb6: {  	_ =	strace $0x90000048  }
0xb7: {  	_ =	sfence  }
0xb8: {  	s30 =	sld [smem:$0x0];
	_ =	sdelay $0x2  }
0xb9: {  	s31 =	sshll.u32 s1, $0xD;
	s1 =	sshrl.u32 s1, $0x2  }
0xba: {  	s3 =	sand.u32 $0x4000, s31;
	s1 =	sadd.s32 s1, s30  }
0xbb: {  	s0 =	sor.u32 s3, s0;
	s1 =	sshll.u32 s1, $0x11  }
0xbc: {  	s0 =	sor.u32 s1, s0  }
0xbd: {  	s0 =	sadd.s32 $0x8F2B, s0  }
0xbe: {  	[sflag:s0] =	ssyncadd.remote.s32 $0x1  }
0xbf: {  	_ =	sfence.sel $0xFFFF  }
0xc0: {  	[dreg:$0x0] =	wrdreg $0xFFFFFFFF;
	(pc) =	sbr.abs _section_cstart, $3  }
0xc1: {  	[dreg:$0x1] =	wrdreg $0xFFFFFFFF  }
0xc2: {  	_ =	task.clear_ibuf [dreg:s6], $0x2FFFF;
	_ =	strace $0x9FFFFFFF  }
0xc3: {  	(tm) =	ssettm $0x7FFFFFFF  }
tec
execute0_lowered:
.L_overlay_start_1:
0x0: {  	(tag) =	ssettag $0x1  }
0x1: {  	s6 =	rddreg [dreg:$0x0]  }
0x2: {  	s0 =	rddreg [dreg:$0x1];
	s1 =	srdreg.scid  }
0x3: {  	s8 =	stileid.u32;
	s2 =	rddreg [dreg:$0x2]  }
0x4: {  	s3 =	simm.s32 $0x0;
	s11 =	simm.s32 $0x2330;
	s12 =	simm.s32 $0x1B60  }
0x5: {  	s13 =	simm.s32 $0x2B00;
	s15 =	simm.s32 $0x3;
	s16 =	simm.s32 $0x0  }
0x6: {  	s4 =	sand.u32 $0x1, s1;
	s5 =	sshll.u32 s8, $0x1;
	s1 =	rddreg [dreg:$0x3]  }
0x7: {  	[smem:$0x7FF] =	sst s3;
	p0 =	sne.s32 s8, $0x0;
	s5 =	sor.u32 s4, s5  }
0x8: {  	_ =	strace $0x80000047;
	s7 =	ssub.s32 $0x2, s4;
	s14 =	smul.u32 $0x1388, s5  }
0x9: {  	s4 =	sadd.s32 $0x5400, s6;
	s8 =	sshrl.u32 @!p0 s0, $0x3;
	s10 =	sshrl.u32 s7, $0x1  }
0xa: {  	s5 =	sadd.s32 $0xA00, s6;
	s7 =	ssub.s32 s7, s10;
	s9 =	sshrl.u32 s14, $0x3  }
0xb: {  	s10 =	simm.s32 $0x1390;
	s7 =	smax.u32 s7, $0x1;
	s6 =	sadd.s32 s9, s6  }
0xc: {  	v1 =	vlaneseq.u32;
	v0 =	vmov s14;
	s14 =	simm.s32 $0x2;
	s9 =	sshrl.u32 @!p0 s2, $0x3;
	s6 =	sadd.s32 $0x9E00, s6  }
.LBB2_1:
0xd: {  	v3 =	vor.u32 s3, v1  }
0xe: {  	v2 =	vmulhi.u32 $0xAAAAAAAB, v3  }
0xf: {  	s17 =	simm.s32 @!p0 $0x1C03;
	s18 =	simm.s32 @!p0 $0x3  }
0x10: {  	[spmem:s8], [sflag:s17] =	dma.local @!p0 [hbm:s5], $0x493E;
	v4 =	vmulhi.u32 $0xBA2E8BA3, v3;
	v2 =	vshrl.u32 v2, $0x2  }
0x11: {  	_ =	swait.ge @!p0 [sflag:s18], $0x493E;
	v2 =	vmul.u32 $0x6, v2  }
0x12: {  	s19 =	simm.s32 $0x10;
	[sflag:s18] =	ssyncset.done @!p0 $0x0;
	v4 =	vshrl.u32 v4, $0xA  }
0x13: {  	[sflag:s18] =	ssyncadd.s32 @!p0 $0xFFFFB6C2;
	v4 =	vmul.u32 $0x580, v4;
	v5 =	vsub.s32 v3, v2;
	v2 =	vor.u32 s19, v1  }
0x14: {  	[spmem:s9], [sflag:s17] =	dma.local @!p0 [hbm:s4], $0x493E;
	v5 =	vmul.u32 $0x3180, v5;
	v6 =	vmulhi.u32 $0xAAAAAAAB, v2  }
0x15: {  	_ =	swait.ge @!p0 [sflag:s18], $0x493E;
	v3 =	vsub.s32 v3, v4  }
0x16: {  	[sflag:s18] =	ssyncset.done @!p0 $0x0;
	v4 =	vmulhi.u32 $0xBA2E8BA3, v2;
	v3 =	vadd.s32 v5, v3;
	v5 =	vshrl.u32 v6, $0x2  }
0x17: {  	[sflag:s18] =	ssyncadd.s32 @!p0 $0xFFFFB6C2;
	v6 =	vadd.s32 $0x2C00, v3;
	v3 =	vmul.u32 $0x6, v5  }
0x18: {  	s17 =	simm.s32 $0x0;
	s18 =	simm.s32 $0x20;
	v4 =	vshrl.u32 v4, $0xA;
	[tilespmem:s3+$0x0] =	vst v6  }
.LBB2_2:
0x19: {  	v5 =	vor.u32 s18, v1;
	p1 =	sne.s32 s18, $0x1380;
	s18 =	sadd.s32 $0x10, s18;
	v3 =	vsub.s32 v2, v3;
	v4 =	vmul.u32 $0x580, v4  }
.Ltmp0:
0x1a: {  	v6 =	vmulhi.u32 $0xAAAAAAAB, v5;
	v3 =	vmul.u32 $0x3180, v3;
	(pc) =	sbr.rel @p1 .LBB2_2-.Ltmp0, $4  }
0x1b: {  	v4 =	vsub.s32 v2, v4;
	v2 =	vmov v5  }
0x1c: {  	v5 =	vshrl.u32 v6, $0x2;
	v6 =	vmulhi.u32 $0xBA2E8BA3, v2;
	v4 =	vadd.s32 v3, v4  }
0x1d: {  	s17 =	sadd.s32 $0x10, s17;
	v3 =	vmul.u32 $0x6, v5;
	v5 =	vadd.s32 $0x2C00, v4  }
0x1e: {  	v4 =	vshrl.u32 v6, $0xA;
	[tilespmem:s17+$0x0] =	vst v5  }
0x1f: {  	v3 =	vsub.s32 v2, v3;
	v4 =	vmul.u32 $0x580, v4  }
0x20: {  	v3 =	vmul.u32 $0x3180, v3  }
0x21: {  	v2 =	vsub.s32 v2, v4  }
0x22: {  	v2 =	vadd.s32 v3, v2  }
0x23: {  	s17 =	sadd.s32 $0x10, s17;
	v2 =	vadd.s32 $0x2C00, v2  }
0x24: {  	[tilespmem:s17+$0x0] =	vst v2  }
0x25: {  	[bflag:$0x0] =	sbarrier.arrive $0xFFFF  }
0x26: {  	[tilespmem:s10], [sflag:$0x1] =	stream.linear.gather [spmem:s0], $0x7D0, $0x38;
	[tilespmem:$0x7C10] =	vst v63  }
0x27: {  	s17 =	simm.s32 $0x0  }
0x28: {  	[tilespmem:s11], [sflag:$0x1] =	stream.linear.gather [spmem:s2], $0x7D0, $0x38;
	[tilespmem:$0x7C10] =	vst v63  }
.LBB2_4:
0x29: {  	s18 =	smul.u32 $0xFA0, s17;
	_ =	sdelay $0x1  }
0x2a: {  	s19 =	sadd.s32 $0x7D0, s18  }
0x2b: {  	s20 =	sadd.s32 s19, s0  }
0x2c: {  	[tilespmem:s12], [sflag:$0x2] =	stream.linear.gather [spmem:s20], $0x7D0, $0x38;
	[tilespmem:$0x7C10] =	vst v63  }
0x2d: {  	s31 =	simm.s32 $0x1;
	s19 =	sadd.s32 s19, s2  }
0x2e: {  	[tilespmem:s13], [sflag:$0x2] =	stream.linear.gather [spmem:s19], $0x7D0, $0x38;
	[tilespmem:$0x7C10] =	vst v63  }
0x2f: {  	_ =	swait.ge [sflag:s31], $0x7D0  }
0x30: {  	[sflag:s31] =	ssyncset.done $0x0  }
0x31: {  	[sflag:s31] =	ssyncadd.s32 $0xFFFFF830  }
0x32: {  	_ =	swait.ge [sflag:s31], $0x7D0  }
0x33: {  	[sflag:s31] =	ssyncset.done $0x0  }
0x34: {  	[sflag:s31] =	ssyncadd.s32 $0xFFFFF830  }
0x35: {  	v12 =	vld [tilespmem:$0x1390]  }
0x36: {  	v7 =	vld [tilespmem:$0x13D0]  }
0x37: {  	v6 =	vld [tilespmem:$0x13C0]  }
0x38: {  	v16 =	vld [tilespmem:$0x13B0]  }
0x39: {  	v17 =	vld [tilespmem:$0x13A0]  }
0x3a: {  	v4 =	vld [tilespmem:$0x2330]  }
0x3b: {  	v2 =	vld [tilespmem:$0x2340]  }
0x3c: {  	s19 =	smin.u32 s31, $0x18;
	v3 =	vld [tilespmem:$0x2350];
	v8 =	vsub.s32 v7, v0  }
0x3d: {  	s19 =	smul.u32 $0x50, s19;
	v5 =	vld [tilespmem:$0x2360];
	v10 =	vsub.s32 v6, v0;
	v11 =	vand.u32 $0x7, v6;
	v20 =	vand.u32 $0x7, v16  }
0x3e: {  	v6 =	vld [tilespmem:$0x2370];
	v14 =	vsub.s32 v12, v0;
	v15 =	vand.u32 $0x7, v12;
	v18 =	vsub.s32 v17, v0  }
0x3f: {  	v12 =	vld [tilespmem:s19+$0x2360];
	v17 =	vand.u32 $0x7, v17;
	v9 =	vand.u32 $0xFFFFFFF8, v8;
	vm0 =	vlt.u32 v10, $0x1388  }
0x40: {  	v13 =	vand.u32 $0xFFFFFFF8, v10;
	v10 =	vld [tilespmem:s19+$0x2370];
	vm2 =	vlt.u32 v14, $0x1388;
	v19 =	vand.u32 $0xFFFFFFF8, v14  }
0x41: {  	vm1 =	vlt.u32 v18, $0x1388;
	v14 =	vld [tilespmem:s19+$0x2350];
	v15 =	vor.u32 v15, v19;
	v19 =	vsub.s32 v16, v0  }
0x42: {  	v18 =	vand.u32 $0xFFFFFFF8, v18;
	vm0 =	vmmov vm0;
	v16 =	vld [tilespmem:s19+$0x2340];
	v21 =	vand.u32 $0xFFFFFFF8, v19  }
0x43: {  	s20 =	simm.s32 $0x2;
	v18 =	vor.u32 v17, v18;
	vm3 =	vlt.u32 v19, $0x1388;
	v19 =	vld [tilespmem:s19+$0x2330];
	v17 =	vor.u32 v20, v21  }
.LBB2_5:
0x44: {  	p1 =	sne.s32 s20, $0x19;
	v20 =	vld [tilespmem:s19+$0x13D0];
	s21 =	smov.u32 s20;
	s20 =	sadd.s32 $0x1, s20  }
0x45: {  	v22 =	vor.u32 v11, v13;
	v21 =	vld [tilespmem:s19+$0x13C0]  }
0x46: {  	vm4 =	vlt.u32 v8, $0x1388;
	v7 =	vand.u32 $0x7, v7;
	v23 =	vld [tilespmem:s19+$0x1390]  }
0x47: {  	v25 =	vor.u32 v7, v9;
	v24 =	vld [tilespmem:s19+$0x13B0]  }
0x48: {  	v26 =	vld [tilespmem:s19+$0x13A0]  }
0x49: {  	v8 =	vsub.s32 v20, v0;
	[tilespmem:v15+s3+$0x0] =	vst.idx.msk vm2, v4;
	v7 =	vmov v20;
	v4 =	vmov v19  }
0x4a: {  	v13 =	vsub.s32 v21, v0;
	v11 =	vand.u32 $0x7, v21;
	v9 =	vand.u32 $0xFFFFFFF8, v8;
	[tilespmem:v18+s3+$0x0] =	vst.idx.msk vm1, v2;
	v2 =	vmovc v16  }
0x4b: {  	s19 =	smin.u32 s21, $0x18;
	vm1 =	vlt.u32 v13, $0x1388;
	v13 =	vand.u32 $0xFFFFFFF8, v13;
	[tilespmem:v17+s3+$0x0] =	vst.idx.msk vm3, v3;
	v3 =	vmov v14  }
0x4c: {  	s19 =	smul.u32 $0x50, s19;
	v17 =	vand.u32 $0x7, v24;
	[tilespmem:v22+s3+$0x0] =	vst.idx.msk vm0, v5;
	v5 =	vmov v12;
	vm0 =	vmmov vm1  }
0x4d: {  	[tilespmem:v25+s3+$0x0] =	vst.idx.msk vm4, v6;
	v6 =	vmov v10  }
.Ltmp1:
0x4e: {  	v14 =	vsub.s32 v23, v0;
	v15 =	vand.u32 $0x7, v23;
	v16 =	vsub.s32 v26, v0;
	v10 =	vld [tilespmem:s19+$0x2370];
	(pc) =	sbr.rel @p1 .LBB2_5-.Ltmp1, $4  }
0x4f: {  	vm2 =	vlt.u32 v14, $0x1388;
	v18 =	vand.u32 $0xFFFFFFF8, v14;
	vm1 =	vlt.u32 v16, $0x1388;
	v12 =	vld [tilespmem:s19+$0x2360]  }
0x50: {  	v19 =	vsub.s32 v24, v0;
	v15 =	vor.u32 v15, v18;
	v18 =	vand.u32 $0xFFFFFFF8, v16;
	v14 =	vld [tilespmem:s19+$0x2350]  }
0x51: {  	v20 =	vand.u32 $0x7, v26;
	vm3 =	vlt.u32 v19, $0x1388;
	v21 =	vand.u32 $0xFFFFFFF8, v19;
	v16 =	vld [tilespmem:s19+$0x2340]  }
0x52: {  	v17 =	vor.u32 v17, v21;
	v18 =	vor.u32 v20, v18;
	v19 =	vld [tilespmem:s19+$0x2330]  }
0x53: {  	_ =	sdelay $0x2  }
0x54: {  	v10 =	vor.u32 v11, v13;
	vm4 =	vlt.u32 v8, $0x1388;
	v7 =	vand.u32 $0x7, v7  }
0x55: {  	v7 =	vor.u32 v7, v9  }
0x56: {  	[tilespmem:v15+s3+$0x0] =	vst.idx.msk vm2, v4  }
0x57: {  	[tilespmem:v18+s3+$0x0] =	vst.idx.msk vm1, v2  }
0x58: {  	[tilespmem:v17+s3+$0x0] =	vst.idx.msk vm3, v3  }
0x59: {  	s18 =	sadd.s32 $0xFA0, s18;
	[tilespmem:v10+s3+$0x0] =	vst.idx.msk vm0, v5  }
0x5a: {  	s19 =	sadd.s32 s18, s0;
	[tilespmem:v7+s3+$0x0] =	vst.idx.msk vm4, v6  }
0x5b: {  	[tilespmem:s10], [sflag:$0x1] =	stream.linear.gather [spmem:s19], $0x7D0, $0x38;
	[tilespmem:$0x7C10] =	vst v63  }
0x5c: {  	s18 =	sadd.s32 s18, s2  }
0x5d: {  	[tilespmem:s11], [sflag:$0x1] =	stream.linear.gather [spmem:s18], $0x7D0, $0x38;
	[tilespmem:$0x7C10] =	vst v63  }
0x5e: {  	_ =	swait.ge [sflag:s14], $0x7D0  }
0x5f: {  	[sflag:s14] =	ssyncset.done $0x0  }
0x60: {  	[sflag:s14] =	ssyncadd.s32 $0xFFFFF830  }
0x61: {  	_ =	swait.ge [sflag:s14], $0x7D0  }
0x62: {  	[sflag:s14] =	ssyncset.done $0x0  }
0x63: {  	[sflag:s14] =	ssyncadd.s32 $0xFFFFF830  }
0x64: {  	v12 =	vld [tilespmem:$0x1B60]  }
0x65: {  	v7 =	vld [tilespmem:$0x1BA0]  }
0x66: {  	v6 =	vld [tilespmem:$0x1B90]  }
0x67: {  	v16 =	vld [tilespmem:$0x1B80]  }
0x68: {  	v17 =	vld [tilespmem:$0x1B70]  }
0x69: {  	v3 =	vld [tilespmem:$0x2B00]  }
0x6a: {  	s31 =	simm.s32 $0x1;
	v2 =	vld [tilespmem:$0x2B10]  }
0x6b: {  	s18 =	smin.u32 s31, $0x18;
	v4 =	vld [tilespmem:$0x2B20];
	v8 =	vsub.s32 v7, v0  }
0x6c: {  	s18 =	smul.u32 $0x50, s18;
	v5 =	vld [tilespmem:$0x2B30];
	v10 =	vsub.s32 v6, v0;
	v11 =	vand.u32 $0x7, v6;
	v20 =	vand.u32 $0x7, v16  }
0x6d: {  	v6 =	vld [tilespmem:$0x2B40];
	v14 =	vsub.s32 v12, v0;
	v15 =	vand.u32 $0x7, v12;
	v18 =	vsub.s32 v17, v0  }
0x6e: {  	v12 =	vld [tilespmem:s18+$0x2B30];
	v17 =	vand.u32 $0x7, v17;
	v9 =	vand.u32 $0xFFFFFFF8, v8;
	vm0 =	vlt.u32 v10, $0x1388  }
0x6f: {  	v13 =	vand.u32 $0xFFFFFFF8, v10;
	v10 =	vld [tilespmem:s18+$0x2B40];
	vm2 =	vlt.u32 v14, $0x1388;
	v19 =	vand.u32 $0xFFFFFFF8, v14  }
0x70: {  	vm1 =	vlt.u32 v18, $0x1388;
	v14 =	vld [tilespmem:s18+$0x2B20];
	v15 =	vor.u32 v15, v19;
	v19 =	vsub.s32 v16, v0  }
0x71: {  	v18 =	vand.u32 $0xFFFFFFF8, v18;
	vm0 =	vmmov vm0;
	v16 =	vld [tilespmem:s18+$0x2B10];
	v21 =	vand.u32 $0xFFFFFFF8, v19  }
0x72: {  	s19 =	simm.s32 $0x2;
	v18 =	vor.u32 v17, v18;
	vm3 =	vlt.u32 v19, $0x1388;
	v19 =	vld [tilespmem:s18+$0x2B00];
	v17 =	vor.u32 v20, v21  }
.LBB2_7:
0x73: {  	p1 =	sne.s32 s19, $0x19;
	v20 =	vld [tilespmem:s18+$0x1BA0];
	s20 =	smov.u32 s19;
	s19 =	sadd.s32 $0x1, s19  }
0x74: {  	v22 =	vor.u32 v11, v13;
	v21 =	vld [tilespmem:s18+$0x1B90]  }
0x75: {  	vm4 =	vlt.u32 v8, $0x1388;
	v7 =	vand.u32 $0x7, v7;
	v23 =	vld [tilespmem:s18+$0x1B60]  }
0x76: {  	v25 =	vor.u32 v7, v9;
	v24 =	vld [tilespmem:s18+$0x1B80]  }
0x77: {  	v26 =	vld [tilespmem:s18+$0x1B70]  }
0x78: {  	v8 =	vsub.s32 v20, v0;
	[tilespmem:v15+s3+$0x0] =	vst.idx.msk vm2, v3;
	v7 =	vmov v20;
	v3 =	vmov v19  }
0x79: {  	v13 =	vsub.s32 v21, v0;
	v11 =	vand.u32 $0x7, v21;
	v9 =	vand.u32 $0xFFFFFFF8, v8;
	[tilespmem:v18+s3+$0x0] =	vst.idx.msk vm1, v2;
	v2 =	vmovc v16  }
0x7a: {  	s18 =	smin.u32 s20, $0x18;
	vm1 =	vlt.u32 v13, $0x1388;
	v13 =	vand.u32 $0xFFFFFFF8, v13;
	[tilespmem:v17+s3+$0x0] =	vst.idx.msk vm3, v4;
	v4 =	vmov v14  }
0x7b: {  	s18 =	smul.u32 $0x50, s18;
	v17 =	vand.u32 $0x7, v24;
	[tilespmem:v22+s3+$0x0] =	vst.idx.msk vm0, v5;
	v5 =	vmov v12;
	vm0 =	vmmov vm1  }
0x7c: {  	[tilespmem:v25+s3+$0x0] =	vst.idx.msk vm4, v6;
	v6 =	vmov v10  }
.Ltmp2:
0x7d: {  	v14 =	vsub.s32 v23, v0;
	v15 =	vand.u32 $0x7, v23;
	v16 =	vsub.s32 v26, v0;
	v10 =	vld [tilespmem:s18+$0x2B40];
	(pc) =	sbr.rel @p1 .LBB2_7-.Ltmp2, $4  }
0x7e: {  	vm2 =	vlt.u32 v14, $0x1388;
	v18 =	vand.u32 $0xFFFFFFF8, v14;
	vm1 =	vlt.u32 v16, $0x1388;
	v12 =	vld [tilespmem:s18+$0x2B30]  }
0x7f: {  	v19 =	vsub.s32 v24, v0;
	v15 =	vor.u32 v15, v18;
	v18 =	vand.u32 $0xFFFFFFF8, v16;
	v14 =	vld [tilespmem:s18+$0x2B20]  }
0x80: {  	v20 =	vand.u32 $0x7, v26;
	vm3 =	vlt.u32 v19, $0x1388;
	v21 =	vand.u32 $0xFFFFFFF8, v19;
	v16 =	vld [tilespmem:s18+$0x2B10]  }
0x81: {  	v17 =	vor.u32 v17, v21;
	v18 =	vor.u32 v20, v18;
	v19 =	vld [tilespmem:s18+$0x2B00]  }
0x82: {  	_ =	sdelay $0x2  }
0x83: {  	v10 =	vor.u32 v11, v13;
	vm4 =	vlt.u32 v8, $0x1388;
	v7 =	vand.u32 $0x7, v7;
	s17 =	sadd.s32 $0x1, s17  }
0x84: {  	v7 =	vor.u32 v7, v9;
	p1 =	sne.s32 s17, $0x25  }
.Ltmp3:
0x85: {  	[tilespmem:v15+s3+$0x0] =	vst.idx.msk vm2, v3;
	(pc) =	sbr.rel @p1 .LBB2_4-.Ltmp3, $4  }
0x86: {  	[tilespmem:v18+s3+$0x0] =	vst.idx.msk vm1, v2  }
0x87: {  	[tilespmem:v17+s3+$0x0] =	vst.idx.msk vm3, v4  }
0x88: {  	[tilespmem:v10+s3+$0x0] =	vst.idx.msk vm0, v5  }
0x89: {  	[tilespmem:v7+s3+$0x0] =	vst.idx.msk vm4, v6  }
0x8a: {  	s17 =	simm.s32 $0x1  }
0x8b: {  	_ =	swait.ge [sflag:s17], $0x7D0  }
0x8c: {  	[sflag:s17] =	ssyncset.done $0x0  }
0x8d: {  	[sflag:s17] =	ssyncadd.s32 $0xFFFFF830  }
0x8e: {  	_ =	swait.ge [sflag:s17], $0x7D0  }
0x8f: {  	[sflag:s17] =	ssyncset.done $0x0  }
0x90: {  	[sflag:s17] =	ssyncadd.s32 $0xFFFFF830  }
0x91: {  	v12 =	vld [tilespmem:$0x1390]  }
0x92: {  	v7 =	vld [tilespmem:$0x13D0]  }
0x93: {  	v6 =	vld [tilespmem:$0x13C0]  }
0x94: {  	v16 =	vld [tilespmem:$0x13B0]  }
0x95: {  	v17 =	vld [tilespmem:$0x13A0]  }
0x96: {  	v4 =	vld [tilespmem:$0x2330]  }
0x97: {  	v2 =	vld [tilespmem:$0x2340]  }
0x98: {  	s17 =	smin.u32 s17, $0x18;
	v3 =	vld [tilespmem:$0x2350];
	v8 =	vsub.s32 v7, v0  }
0x99: {  	v5 =	vld [tilespmem:$0x2360];
	s17 =	smul.u32 $0x50, s17;
	v10 =	vsub.s32 v6, v0;
	v11 =	vand.u32 $0x7, v6;
	v20 =	vand.u32 $0x7, v16  }
0x9a: {  	v6 =	vld [tilespmem:$0x2370];
	v14 =	vsub.s32 v12, v0;
	v15 =	vand.u32 $0x7, v12;
	v18 =	vsub.s32 v17, v0  }
0x9b: {  	v12 =	vld [tilespmem:s17+$0x2360];
	v17 =	vand.u32 $0x7, v17;
	v9 =	vand.u32 $0xFFFFFFF8, v8;
	vm0 =	vlt.u32 v10, $0x1388  }
0x9c: {  	v13 =	vand.u32 $0xFFFFFFF8, v10;
	v10 =	vld [tilespmem:s17+$0x2370];
	vm2 =	vlt.u32 v14, $0x1388;
	v19 =	vand.u32 $0xFFFFFFF8, v14  }
0x9d: {  	vm1 =	vlt.u32 v18, $0x1388;
	v14 =	vld [tilespmem:s17+$0x2350];
	v15 =	vor.u32 v15, v19;
	v19 =	vsub.s32 v16, v0  }
0x9e: {  	v18 =	vand.u32 $0xFFFFFFF8, v18;
	vm0 =	vmmov vm0;
	v16 =	vld [tilespmem:s17+$0x2340];
	v21 =	vand.u32 $0xFFFFFFF8, v19  }
0x9f: {  	s18 =	simm.s32 $0x2;
	v18 =	vor.u32 v17, v18;
	vm3 =	vlt.u32 v19, $0x1388;
	v19 =	vld [tilespmem:s17+$0x2330];
	v17 =	vor.u32 v20, v21  }
.LBB2_10:
0xa0: {  	p1 =	sne.s32 s18, $0x19;
	v20 =	vld [tilespmem:s17+$0x13D0];
	s19 =	smov.u32 s18;
	s18 =	sadd.s32 $0x1, s18  }
0xa1: {  	v22 =	vor.u32 v11, v13;
	v21 =	vld [tilespmem:s17+$0x13C0]  }
0xa2: {  	vm4 =	vlt.u32 v8, $0x1388;
	v7 =	vand.u32 $0x7, v7;
	v23 =	vld [tilespmem:s17+$0x1390]  }
0xa3: {  	v25 =	vor.u32 v7, v9;
	v24 =	vld [tilespmem:s17+$0x13B0]  }
0xa4: {  	v26 =	vld [tilespmem:s17+$0x13A0]  }
0xa5: {  	v8 =	vsub.s32 v20, v0;
	[tilespmem:v15+s3+$0x0] =	vst.idx.msk vm2, v4;
	v7 =	vmov v20;
	v4 =	vmov v19  }
0xa6: {  	v13 =	vsub.s32 v21, v0;
	v11 =	vand.u32 $0x7, v21;
	v9 =	vand.u32 $0xFFFFFFF8, v8;
	[tilespmem:v18+s3+$0x0] =	vst.idx.msk vm1, v2;
	v2 =	vmovc v16  }
0xa7: {  	s17 =	smin.u32 s19, $0x18;
	vm1 =	vlt.u32 v13, $0x1388;
	v13 =	vand.u32 $0xFFFFFFF8, v13;
	[tilespmem:v17+s3+$0x0] =	vst.idx.msk vm3, v3;
	v3 =	vmov v14  }
0xa8: {  	s17 =	smul.u32 $0x50, s17;
	v17 =	vand.u32 $0x7, v24;
	[tilespmem:v22+s3+$0x0] =	vst.idx.msk vm0, v5;
	v5 =	vmov v12;
	vm0 =	vmmov vm1  }
0xa9: {  	[tilespmem:v25+s3+$0x0] =	vst.idx.msk vm4, v6;
	v6 =	vmov v10  }
.Ltmp4:
0xaa: {  	v14 =	vsub.s32 v23, v0;
	v15 =	vand.u32 $0x7, v23;
	v16 =	vsub.s32 v26, v0;
	v10 =	vld [tilespmem:s17+$0x2370];
	(pc) =	sbr.rel @p1 .LBB2_10-.Ltmp4, $4  }
0xab: {  	vm2 =	vlt.u32 v14, $0x1388;
	v18 =	vand.u32 $0xFFFFFFF8, v14;
	vm1 =	vlt.u32 v16, $0x1388;
	v12 =	vld [tilespmem:s17+$0x2360]  }
0xac: {  	v19 =	vsub.s32 v24, v0;
	v15 =	vor.u32 v15, v18;
	v18 =	vand.u32 $0xFFFFFFF8, v16;
	v14 =	vld [tilespmem:s17+$0x2350]  }
0xad: {  	v20 =	vand.u32 $0x7, v26;
	vm3 =	vlt.u32 v19, $0x1388;
	v21 =	vand.u32 $0xFFFFFFF8, v19;
	v16 =	vld [tilespmem:s17+$0x2340]  }
0xae: {  	v17 =	vor.u32 v17, v21;
	v18 =	vor.u32 v20, v18;
	v19 =	vld [tilespmem:s17+$0x2330]  }
0xaf: {  	_ =	sdelay $0x2  }
0xb0: {  	v10 =	vor.u32 v11, v13;
	vm4 =	vlt.u32 v8, $0x1388;
	v7 =	vand.u32 $0x7, v7  }
0xb1: {  	v7 =	vor.u32 v7, v9  }
0xb2: {  	[tilespmem:v15+s3+$0x0] =	vst.idx.msk vm2, v4  }
0xb3: {  	[tilespmem:v18+s3+$0x0] =	vst.idx.msk vm1, v2  }
0xb4: {  	s16 =	sadd.s32 $0x1, s16;
	[tilespmem:v17+s3+$0x0] =	vst.idx.msk vm3, v3  }
0xb5: {  	p1 =	sne.s32 s16, s7;
	[tilespmem:v10+s3+$0x0] =	vst.idx.msk vm0, v5  }
.Ltmp5:
0xb6: {  	[tilespmem:v7+s3+$0x0] =	vst.idx.msk vm4, v6;
	(pc) =	sbr.rel @p1 .LBB2_1-.Ltmp5, $4  }
0xb7: {  	[hbm4b:s6+s3] =	stream.linear.scatter [tilespmem:s3], [sflag:$0x3], $0x1388, $0x38;
	[tilespmem:$0x7C10] =	vst v63  }
0xb8: {  	_ =	swait.ge [sflag:s15], $0x1388  }
0xb9: {  	[sflag:s15] =	ssyncset.done $0x0  }
0xba: {  	[sflag:s15] =	ssyncadd.s32 $0xFFFFEC78  }
0xbb: {  	_ =	sfence.sel $0x180000  }
0xbc: {  	[bflag:$0x0] =	sbarrier.arrive $0xFFFF  }
0xbd: {  	_ =	strace $0x90000047  }
0xbe: {  	s0 =	sadd.s32 @!p0 $0x100000, s1;
	[bflag:$0x2] =	sbarrier.arrive $0xFFFF  }
0xbf: {  	[sflag:s0] =	ssyncadd.tile.s32 @!p0 $0x1;
	_ =	shalt  }
.Lfunc_end2:
_tile_overlayer_lowered:
.L_overlay_start_2:
0xc0: {  	(tag) =	ssettag $0x2  }
0xc1: {  	s0 =	rddreg [dreg:$0x0];
	s2 =	stileid.u32  }
0xc2: {  	s1 =	rddreg [dreg:$0x1];
	p0 =	sne.s32 s2, $0x0  }
0xc3: {  	s3 =	rddreg [dreg:$0x2];
	[bflag:$0x3] =	sbarrier.arrive $0xFFFF;
	s2 =	simm.s32 @!p0 $0x1C03  }
0xc4: {  	[timem:s3], [sflag:s2] =	dma.local @!p0 [hbm:s0], s1  }
0xc5: {  	s0 =	simm.s32 @!p0 $0x3  }
0xc6: {  	_ =	swait.ge @!p0 [sflag:s0], s1  }
0xc7: {  	s1 =	ssub.s32 @!p0 $0x0, s1;
	[sflag:s0] =	ssyncset.done @!p0 $0x0  }
0xc8: {  	[sflag:s0] =	ssyncadd.s32 @!p0 s1  }
0xc9: {  	[bflag:$0x3] =	sbarrier.arrive $0xFFFF  }
0xca: {  	_ =	shalt  }

</sc_bundles>
